<compile_context>
chip_gen: v7x
topology: tpu7x:2x2x1
jax: 0.10.2.dev20260603
libtpu: 0.0.44.dev20260713+nightly
codegen_flags: <defaults>
</compile_context>

<pallas_src>
import functools

import jax
import jax.numpy as jnp
from jax import lax
from jax.experimental import pallas as pl
from jax.experimental.pallas import tpu as pltpu
from jax.experimental.pallas import tpu_sc as plsc

NC = 2
NS = 16
NW = NC * NS

N_PAD = 10240
E_PAD = 327680
M_BLK = 1024


def _make_hist(ch=512):
    ew = E_PAD // NW
    chunks = ew // ch
    npt = N_PAD // NS
    mesh = plsc.VectorSubcoreMesh(core_axis_name="c", subcore_axis_name="s")

    @functools.partial(
        pl.kernel,
        out_type=jax.ShapeDtypeStruct((NC, N_PAD), jnp.float32),
        mesh=mesh,
        scratch_types=[
            pltpu.VMEM((ew,), jnp.int32),
            pltpu.VMEM((ch,), jnp.float32),
            pltpu.VMEM_SHARED((N_PAD,), jnp.float32),
            pltpu.SemaphoreType.DMA,
        ],
    )
    def hist(dst_hbm, out_hbm, didx, ones_v, hist_sh, semi):
        c = lax.axis_index("c")
        s = lax.axis_index("s")
        wid = s * NC + c
        base = wid * ew

        pltpu.async_copy(dst_hbm.at[pl.ds(base, ew)], didx, semi)

        z16 = jnp.zeros((16,), jnp.float32)

        def zfill(i, carry):
            ones_v[pl.ds(i * 16, 16)] = z16
            return carry

        lax.fori_loop(0, ch // 16, zfill, None)

        def zslice(k, carry):
            pltpu.sync_copy(ones_v.at[pl.ds(0, 128)],
                            hist_sh.at[pl.ds(s * npt + k * 128, 128)])
            return carry

        lax.fori_loop(0, npt // 128, zslice, None)

        o16 = jnp.ones((16,), jnp.float32)

        def ofill(i, carry):
            ones_v[pl.ds(i * 16, 16)] = o16
            return carry

        lax.fori_loop(0, ch // 16, ofill, None)
        pltpu.make_async_copy(dst_hbm.at[pl.ds(base, ew)], didx, semi).wait()
        plsc.subcore_barrier()

        def estep(g, carry):
            pltpu.sync_copy(ones_v, hist_sh.at[didx.at[pl.ds(g * ch, ch)]],
                            add=True)
            return carry

        lax.fori_loop(0, chunks, estep, None)

        plsc.subcore_barrier()
        pltpu.sync_copy(hist_sh.at[pl.ds(s * npt, npt)],
                        out_hbm.at[c, pl.ds(s * npt, npt)])

    return hist


def _make_spmm(d, ch=80):
    ew = E_PAD // NW
    chunks = ew // ch
    rpt = N_PAD // NS
    mesh = plsc.VectorSubcoreMesh(core_axis_name="c", subcore_axis_name="s")

    @functools.partial(
        pl.kernel,
        out_type=jax.ShapeDtypeStruct((NC, N_PAD, d), jnp.float32),
        mesh=mesh,
        scratch_types=[
            pltpu.VMEM((ew,), jnp.int32),
            pltpu.VMEM((ew,), jnp.int32),
            pltpu.VMEM((ch, d), jnp.float32),
            pltpu.VMEM((ch, d), jnp.float32),
            pltpu.VMEM_SHARED((N_PAD, d), jnp.float32),
            pltpu.SemaphoreType.DMA,
            pltpu.SemaphoreType.DMA,
            pltpu.SemaphoreType.DMA,
        ],
    )
    def spmm(hp_hbm, src_hbm, dst_hbm, zero_hbm, out_hbm, sidx, didx,
             rows0, rows1, acc_sh, sem0, sem1, semi):
        c = lax.axis_index("c")
        s = lax.axis_index("s")
        wid = s * NC + c
        base = wid * ew

        pltpu.async_copy(src_hbm.at[pl.ds(base, ew)], sidx, semi)
        pltpu.async_copy(dst_hbm.at[pl.ds(base, ew)], didx, semi)
        pltpu.sync_copy(zero_hbm.at[pl.ds(s * rpt, rpt)],
                        acc_sh.at[pl.ds(s * rpt, rpt)])

        pltpu.make_async_copy(src_hbm.at[pl.ds(base, ew)], sidx, semi).wait()
        pltpu.make_async_copy(dst_hbm.at[pl.ds(base, ew)], didx, semi).wait()
        plsc.subcore_barrier()

        def _gather(g, rbuf, sem):
            pltpu.async_copy(hp_hbm.at[sidx.at[pl.ds(g * ch, ch)]], rbuf, sem)

        def _wait(g, rbuf, sem):
            pltpu.make_async_copy(
                hp_hbm.at[sidx.at[pl.ds(g * ch, ch)]], rbuf, sem).wait()

        def _scat(g, rbuf):
            pltpu.sync_copy(rbuf, acc_sh.at[didx.at[pl.ds(g * ch, ch)]],
                            add=True)

        _gather(0, rows0, sem0)

        def body(j, carry):
            g0 = j * 2
            _gather(g0 + 1, rows1, sem1)
            _wait(g0, rows0, sem0)
            _scat(g0, rows0)

            @pl.when(j + 1 < chunks // 2)
            def _():
                _gather(g0 + 2, rows0, sem0)

            _wait(g0 + 1, rows1, sem1)
            _scat(g0 + 1, rows1)
            return carry

        lax.fori_loop(0, chunks // 2, body, None)

        plsc.subcore_barrier()
        pltpu.sync_copy(acc_sh.at[pl.ds(s * rpt, rpt)],
                        out_hbm.at[c, pl.ds(s * rpt, rpt)])

    return spmm


def _dinv_body(h_ref, o_ref):
    deg = h_ref[0] + h_ref[1] + 1.0
    o_ref[...] = lax.rsqrt(deg)


def _mm1_body(x_ref, w_ref, dinv_ref, o_ref):
    h = jnp.dot(x_ref[...], w_ref[...], preferred_element_type=jnp.float32)
    o_ref[...] = h * dinv_ref[...]


def _mid_body(a_ref, h1p_ref, dinv_ref, b1_ref, w2_ref, o_ref):
    acc = a_ref[0] + a_ref[1]
    dinv = dinv_ref[...]
    x1 = (acc + h1p_ref[...]) * dinv + b1_ref[...]
    h2 = jnp.maximum(x1, 0.0)
    o_ref[...] = jnp.dot(h2, w2_ref[...],
                         preferred_element_type=jnp.float32) * dinv


def _fin_body(a_ref, h2p_ref, dinv_ref, b2_ref, o_ref):
    acc = a_ref[0] + a_ref[1]
    o_ref[...] = (acc + h2p_ref[...]) * dinv_ref[...] + b2_ref[...]


def _row_block(d):
    return pl.BlockSpec((M_BLK, d), lambda i: (i, 0))


def _full_block(shape):
    return pl.BlockSpec(shape, lambda i: tuple(0 for _ in shape))


def kernel(graph, inputs, W1, b1, W2, b2):
    n, d_in = inputs.shape
    e = graph.shape[1]
    d_hid = W1.shape[1]
    d_out = W2.shape[1]
    grid = N_PAD // M_BLK

    src = graph[0]
    dst = graph[1]
    pad = jnp.full((E_PAD - e,), n, dtype=jnp.int32)
    srcp = jnp.concatenate([src, pad])
    dstp = jnp.concatenate([dst, pad])
    xp = jnp.pad(inputs, ((0, N_PAD - n), (0, 0)))

    hist = _make_hist()(dstp)
    hist3d = hist.reshape(NC, N_PAD // 128, 128)

    dinv2d = pl.pallas_call(
        _dinv_body,
        out_shape=jax.ShapeDtypeStruct((N_PAD // 128, 128), jnp.float32),
    )(hist3d)
    dinv = dinv2d.reshape(N_PAD, 1)

    h1p = pl.pallas_call(
        _mm1_body,
        grid=(grid,),
        in_specs=[
            _row_block(d_in),
            _full_block((d_in, d_hid)),
            _row_block(1),
        ],
        out_specs=_row_block(d_hid),
        out_shape=jax.ShapeDtypeStruct((N_PAD, d_hid), jnp.float32),
    )(xp, W1, dinv)

    zeros = jnp.zeros((N_PAD, d_hid), jnp.float32)

    acc1 = _make_spmm(d_hid)(h1p, srcp, dstp, zeros)

    d_pad = 128
    W2p = jnp.pad(W2, ((0, 0), (0, d_pad - d_out)))
    b2p = jnp.pad(b2, (0, d_pad - d_out))

    h2p = pl.pallas_call(
        _mid_body,
        grid=(grid,),
        in_specs=[
            pl.BlockSpec((NC, M_BLK, d_hid), lambda i: (0, i, 0)),
            _row_block(d_hid),
            _row_block(1),
            _full_block((1, d_hid)),
            _full_block((d_hid, d_pad)),
        ],
        out_specs=_row_block(d_pad),
        out_shape=jax.ShapeDtypeStruct((N_PAD, d_pad), jnp.float32),
    )(acc1, h1p, dinv, b1.reshape(1, d_hid), W2p)

    acc2 = _make_spmm(d_pad)(h2p, srcp, dstp, zeros)

    out = pl.pallas_call(
        _fin_body,
        grid=(grid,),
        in_specs=[
            pl.BlockSpec((NC, M_BLK, d_pad), lambda i: (0, i, 0)),
            _row_block(d_pad),
            _row_block(1),
            _full_block((1, d_pad)),
        ],
        out_specs=_row_block(d_pad),
        out_shape=jax.ShapeDtypeStruct((N_PAD, d_pad), jnp.float32),
    )(acc2, h2p, dinv, b2p.reshape(1, d_pad))

    return out[:n, :d_out]

# --- scband reference (transcript-rebuilt; emitter-appended) ---
"""Pipeline reference for scband-gcn-18786186953371 (READ-ONLY COPY).

The authoritative reference and input builder live on the scoring server;
editing this copy changes nothing except your own understanding.
"""

import jax, jax.numpy as jnp
import numpy as np

N = 10000
E = 320000
D_IN = 128
D_HID = 128
D_OUT = 64


def setup_inputs(seed: int = 0):
    key = jax.random.key(seed)
    ks = jax.random.split(key, 6)
    inputs = jax.random.normal(ks[0], (N, D_IN), dtype=jnp.float32)
    graph = jax.random.randint(ks[1], (2, E), 0, N, dtype=jnp.int32)
    W1 = jax.random.normal(ks[2], (D_IN, D_HID), dtype=jnp.float32) / np.sqrt(D_IN)
    b1 = jnp.zeros((D_HID,), dtype=jnp.float32)
    W2 = jax.random.normal(ks[3], (D_HID, D_OUT), dtype=jnp.float32) / np.sqrt(D_HID)
    b2 = jnp.zeros((D_OUT,), dtype=jnp.float32)
    return {"graph": graph, "inputs": inputs, "W1": W1, "b1": b1, "W2": W2, "b2": b2}


def _norm_edges(graph):
    # GCN symmetric normalization with self-loops: D^{-1/2} (A + I) D^{-1/2}
    loop = jnp.arange(N, dtype=graph.dtype)
    src = jnp.concatenate([graph[0], loop])
    dst = jnp.concatenate([graph[1], loop])
    deg = jax.ops.segment_sum(jnp.ones_like(src, dtype=jnp.float32), dst, num_segments=N)
    dinv = jax.lax.rsqrt(jnp.maximum(deg, 1.0))
    norm = dinv[src] * dinv[dst]
    return src, dst, norm


def _gcn_conv(x, src, dst, norm, W, b):
    h = x @ W
    msg = h[src] * norm[:, None]            # gather over edges
    agg = jax.ops.segment_sum(msg, dst, num_segments=N)  # scatter-add over edges
    return agg + b


def reference(graph, inputs, W1, b1, W2, b2):
    src, dst, norm = _norm_edges(graph)
    h = _gcn_conv(inputs, src, dst, norm, W1, b1)
    h = jax.nn.relu(h)
    out = _gcn_conv(h, src, dst, norm, W2, b2)
    return out

if __name__ == "__main__":
    import jax
    _d = setup_inputs()
    print(jax.jit(kernel)(*tuple(_d.values())))

</pallas_src>

<mosaic_0001>
#map = affine_map<(d0, d1) -> (0)>
#map1 = affine_map<(d0, d1) -> (0, 0)>
module attributes {stable_mosaic.version = 14 : i64} {
  func.func @hist(%arg0: i32, %arg1: i32, %arg2: memref<327680xi32, #tpu.memory_space<hbm>>, %arg3: memref<2x10240xf32, #tpu.memory_space<hbm>>, %arg4: memref<10240xi32, #tpu.memory_space<vmem>>, %arg5: memref<512xf32, #tpu.memory_space<vmem>>, %arg6: memref<10240xf32, #tpu.memory_space<vmem_shared>>, %arg7: memref<!tpu.dma_semaphore, #tpu.memory_space<semaphore_mem>>) attributes {dimension_semantics = [#tpu.dimension_semantics<core_parallel>, #tpu.dimension_semantics<subcore_parallel>], iteration_bounds = array<i64: 2, 16>, scalar_prefetch = 0 : i64, scratch_operands = 4 : i64, tpu.core_type = #tpu.core_type<sc_vector_subcore>, window_params = [{transform_indices = #map}, {transform_indices = #map1}]} {
    %mul3A = arith.constant 2 : i32
    %mul3A_0 = arith.muli %arg1, %mul3A : i32
    %add3A = arith.addi %mul3A_0, %arg0 : i32
    %mul3A_1 = arith.constant 10240 : i32
    %mul3A_2 = arith.muli %add3A, %mul3A_1 : i32
    %dma_start3A = tpu.memref_slice %arg2[%mul3A_2] : memref<327680xi32, #tpu.memory_space<hbm>> -> memref<10240xi32, #tpu.memory_space<hbm>>
    %dma_start3A_3 = tpu.memref_slice %arg2[%mul3A_2] : memref<327680xi32, #tpu.memory_space<hbm>> -> memref<10240xi32, #tpu.memory_space<hbm>>
    tpu.enqueue_dma source(%dma_start3A_3 : memref<10240xi32, #tpu.memory_space<hbm>>) target(%arg4 : memref<10240xi32, #tpu.memory_space<vmem>>) target_semaphore(%arg7 : memref<!tpu.dma_semaphore, #tpu.memory_space<semaphore_mem>>)
    %broadcast_in_dim3A = arith.constant 0.000000e+00 : f32
    %broadcast_in_dim3A_4 = vector.broadcast %broadcast_in_dim3A : f32 to vector<16xf32>
    %scan3A = arith.constant 0 : i32
    %scan3A_5 = arith.constant 32 : i32
    %scan3A_6 = arith.addi %scan3A, %scan3A_5 : i32
    %scan3A_7 = arith.constant 1 : i32
    scf.for %scan3A_32 = %scan3A to %scan3A_6 step %scan3A_7  : i32 {
      %mul3A_33 = arith.constant 16 : i32
      %mul3A_34 = arith.muli %scan3A_32, %mul3A_33 : i32
      %swap3A = arith.index_cast %mul3A_34 : i32 to index
      %swap3A_35 = tpu.vector_load %arg5[%swap3A] {strides = array<i32>} : memref<512xf32, #tpu.memory_space<vmem>>, vector<16xf32>,
      %swap3A_36 = vector.shape_cast %swap3A_35 : vector<16xf32> to vector<16xf32>
      %swap3A_37 = vector.shape_cast %broadcast_in_dim3A_4 : vector<16xf32> to vector<16xf32>
      tpu.vector_store %arg5[%swap3A], %swap3A_37 {strides = array<i32>} : memref<512xf32, #tpu.memory_space<vmem>>, vector<16xf32>,
    }
    %scan3A_8 = arith.constant 32 : i32
    %scan3A_9 = arith.constant 0 : i32
    %scan3A_10 = arith.constant 5 : i32
    %scan3A_11 = arith.addi %scan3A_9, %scan3A_10 : i32
    %scan3A_12 = arith.constant 1 : i32
    scf.for %scan3A_32 = %scan3A_9 to %scan3A_11 step %scan3A_12  : i32 {
      %mul3A_33 = arith.constant 640 : i32
      %mul3A_34 = arith.muli %arg1, %mul3A_33 : i32
      %mul3A_35 = arith.constant 128 : i32
      %mul3A_36 = arith.muli %scan3A_32, %mul3A_35 : i32
      %add3A_37 = arith.addi %mul3A_34, %mul3A_36 : i32
      "tpu.region"() ({
        %run_scoped3A = tpu.sem_alloc : memref<!tpu.dma_semaphore, #tpu.memory_space<semaphore_mem>>
        %dma_start3A_38 = arith.constant 0 : i32
        %dma_start3A_39 = tpu.memref_slice %arg5[%dma_start3A_38] : memref<512xf32, #tpu.memory_space<vmem>> -> memref<128xf32, #tpu.memory_space<vmem>>
        %dma_start3A_40 = tpu.memref_slice %arg6[%add3A_37] : memref<10240xf32, #tpu.memory_space<vmem_shared>> -> memref<128xf32, #tpu.memory_space<vmem_shared>>
        %dma_start3A_41 = tpu.memref_slice %arg6[%add3A_37] : memref<10240xf32, #tpu.memory_space<vmem_shared>> -> memref<128xf32, #tpu.memory_space<vmem_shared>>
        %dma_start3A_42 = arith.constant 0 : i32
        %dma_start3A_43 = tpu.memref_slice %arg5[%dma_start3A_42] : memref<512xf32, #tpu.memory_space<vmem>> -> memref<128xf32, #tpu.memory_space<vmem>>
        tpu.enqueue_dma source(%dma_start3A_43 : memref<128xf32, #tpu.memory_space<vmem>>) target(%dma_start3A_41 : memref<128xf32, #tpu.memory_space<vmem_shared>>) target_semaphore(%run_scoped3A : memref<!tpu.dma_semaphore, #tpu.memory_space<semaphore_mem>>)
        %dma_wait3A_44 = arith.constant 0 : i32
        %dma_wait3A_45 = tpu.memref_slice %arg5[%dma_wait3A_44] : memref<512xf32, #tpu.memory_space<vmem>> -> memref<128xf32, #tpu.memory_space<vmem>>
        %dma_wait3A_46 = tpu.memref_slice %arg6[%add3A_37] : memref<10240xf32, #tpu.memory_space<vmem_shared>> -> memref<128xf32, #tpu.memory_space<vmem_shared>>
        %dma_wait3A_47 = tpu.memref_slice %arg6[%add3A_37] : memref<10240xf32, #tpu.memory_space<vmem_shared>> -> memref<128xf32, #tpu.memory_space<vmem_shared>>
        %dma_wait3A_48 = arith.constant 0 : i32
        %dma_wait3A_49 = tpu.memref_slice %arg5[%dma_wait3A_48] : memref<512xf32, #tpu.memory_space<vmem>> -> memref<128xf32, #tpu.memory_space<vmem>>
        tpu.wait_dma2 semaphore(%run_scoped3A : memref<!tpu.dma_semaphore, #tpu.memory_space<semaphore_mem>>) src(%dma_wait3A_49 : memref<128xf32, #tpu.memory_space<vmem>>) dst(%dma_wait3A_47 : memref<128xf32, #tpu.memory_space<vmem_shared>>)
        tpu.yield
      }) : () -> ()
    }
    %scan3A_13 = arith.constant 5 : i32
    %broadcast_in_dim3A_14 = arith.constant 1.000000e+00 : f32
    %broadcast_in_dim3A_15 = vector.broadcast %broadcast_in_dim3A_14 : f32 to vector<16xf32>
    %scan3A_16 = arith.constant 0 : i32
    %scan3A_17 = arith.constant 32 : i32
    %scan3A_18 = arith.addi %scan3A_16, %scan3A_17 : i32
    %scan3A_19 = arith.constant 1 : i32
    scf.for %scan3A_32 = %scan3A_16 to %scan3A_18 step %scan3A_19  : i32 {
      %mul3A_33 = arith.constant 16 : i32
      %mul3A_34 = arith.muli %scan3A_32, %mul3A_33 : i32
      %swap3A = arith.index_cast %mul3A_34 : i32 to index
      %swap3A_35 = tpu.vector_load %arg5[%swap3A] {strides = array<i32>} : memref<512xf32, #tpu.memory_space<vmem>>, vector<16xf32>,
      %swap3A_36 = vector.shape_cast %swap3A_35 : vector<16xf32> to vector<16xf32>
      %swap3A_37 = vector.shape_cast %broadcast_in_dim3A_15 : vector<16xf32> to vector<16xf32>
      tpu.vector_store %arg5[%swap3A], %swap3A_37 {strides = array<i32>} : memref<512xf32, #tpu.memory_space<vmem>>, vector<16xf32>,
    }
    %scan3A_20 = arith.constant 32 : i32
    %dma_wait3A = tpu.memref_slice %arg2[%mul3A_2] : memref<327680xi32, #tpu.memory_space<hbm>> -> memref<10240xi32, #tpu.memory_space<hbm>>
    %dma_wait3A_21 = tpu.memref_slice %arg2[%mul3A_2] : memref<327680xi32, #tpu.memory_space<hbm>> -> memref<10240xi32, #tpu.memory_space<hbm>>
    tpu.wait_dma2 semaphore(%arg7 : memref<!tpu.dma_semaphore, #tpu.memory_space<semaphore_mem>>) src(%dma_wait3A_21 : memref<10240xi32, #tpu.memory_space<hbm>>) dst(%arg4 : memref<10240xi32, #tpu.memory_space<vmem>>)
    %barrier3A = arith.constant 0 : index
    tpu.barrier barrier_id(%barrier3A)
    %scan3A_22 = arith.constant 0 : i32
    %scan3A_23 = arith.constant 20 : i32
    %scan3A_24 = arith.addi %scan3A_22, %scan3A_23 : i32
    %scan3A_25 = arith.constant 1 : i32
    scf.for %scan3A_32 = %scan3A_22 to %scan3A_24 step %scan3A_25  : i32 {
      %mul3A_33 = arith.constant 512 : i32
      %mul3A_34 = arith.muli %scan3A_32, %mul3A_33 : i32
      "tpu.region"() ({
        %run_scoped3A = tpu.sem_alloc : memref<!tpu.dma_semaphore, #tpu.memory_space<semaphore_mem>>
        %dma_start3A_35 = tpu.memref_slice %arg4[%mul3A_34] : memref<10240xi32, #tpu.memory_space<vmem>> -> memref<512xi32, #tpu.memory_space<vmem>>
        %dma_start3A_36 = arith.constant 0 : i32
        %dma_start3A_37 = tpu.memref_slice %arg6[%dma_start3A_36] : memref<10240xf32, #tpu.memory_space<vmem_shared>> -> memref<10240xf32, #tpu.memory_space<vmem_shared>>
        tpu.enqueue_indirect_dma source(%arg5 : memref<512xf32, #tpu.memory_space<vmem>>) target(%dma_start3A_37 : memref<10240xf32, #tpu.memory_space<vmem_shared>>) offsets(%dma_start3A_35 : memref<512xi32, #tpu.memory_space<vmem>>) semaphore(%run_scoped3A : memref<!tpu.dma_semaphore, #tpu.memory_space<semaphore_mem>>) {add = true}
        %dma_wait3A_38 = tpu.memref_slice %arg4[%mul3A_34] : memref<10240xi32, #tpu.memory_space<vmem>> -> memref<512xi32, #tpu.memory_space<vmem>>
        %dma_wait3A_39 = arith.constant 0 : i32
        %dma_wait3A_40 = tpu.memref_slice %arg6[%dma_wait3A_39] : memref<10240xf32, #tpu.memory_space<vmem_shared>> -> memref<10240xf32, #tpu.memory_space<vmem_shared>>
        tpu.wait_indirect_dma semaphore(%run_scoped3A : memref<!tpu.dma_semaphore, #tpu.memory_space<semaphore_mem>>) src(%arg5 : memref<512xf32, #tpu.memory_space<vmem>>) dst(%dma_wait3A_40 : memref<10240xf32, #tpu.memory_space<vmem_shared>>)
        tpu.yield
      }) : () -> ()
    }
    %scan3A_26 = arith.constant 20 : i32
    %barrier3A_27 = arith.constant 0 : index
    tpu.barrier barrier_id(%barrier3A_27)
    %mul3A_28 = arith.constant 640 : i32
    %mul3A_29 = arith.muli %arg1, %mul3A_28 : i32
    %mul3A_30 = arith.constant 640 : i32
    %mul3A_31 = arith.muli %arg1, %mul3A_30 : i32
    "tpu.region"() ({
      %run_scoped3A = tpu.sem_alloc : memref<!tpu.dma_semaphore, #tpu.memory_space<semaphore_mem>>
      %dma_start3A_32 = tpu.memref_slice %arg3[%arg0, %mul3A_31] : memref<2x10240xf32, #tpu.memory_space<hbm>> -> memref<1x640xf32, #tpu.memory_space<hbm>>
      %dma_start3A_33 = tpu.memref_squeeze %dma_start3A_32 : memref<1x640xf32, #tpu.memory_space<hbm>> -> memref<640xf32, #tpu.memory_space<hbm>>
      %dma_start3A_34 = tpu.memref_slice %arg6[%mul3A_29] : memref<10240xf32, #tpu.memory_space<vmem_shared>> -> memref<640xf32, #tpu.memory_space<vmem_shared>>
      tpu.enqueue_dma source(%dma_start3A_34 : memref<640xf32, #tpu.memory_space<vmem_shared>>) target(%dma_start3A_33 : memref<640xf32, #tpu.memory_space<hbm>>) target_semaphore(%run_scoped3A : memref<!tpu.dma_semaphore, #tpu.memory_space<semaphore_mem>>)
      %dma_wait3A_35 = tpu.memref_slice %arg3[%arg0, %mul3A_31] : memref<2x10240xf32, #tpu.memory_space<hbm>> -> memref<1x640xf32, #tpu.memory_space<hbm>>
      %dma_wait3A_36 = tpu.memref_squeeze %dma_wait3A_35 : memref<1x640xf32, #tpu.memory_space<hbm>> -> memref<640xf32, #tpu.memory_space<hbm>>
      %dma_wait3A_37 = tpu.memref_slice %arg6[%mul3A_29] : memref<10240xf32, #tpu.memory_space<vmem_shared>> -> memref<640xf32, #tpu.memory_space<vmem_shared>>
      tpu.wait_dma2 semaphore(%run_scoped3A : memref<!tpu.dma_semaphore, #tpu.memory_space<semaphore_mem>>) src(%dma_wait3A_37 : memref<640xf32, #tpu.memory_space<vmem_shared>>) dst(%dma_wait3A_36 : memref<640xf32, #tpu.memory_space<hbm>>)
      tpu.yield
    }) : () -> ()
    return
  }
}

#map = affine_map<(d0, d1) -> (0, 0)>
#map1 = affine_map<(d0, d1) -> (0)>
#map2 = affine_map<(d0, d1) -> (0, 0, 0)>
module attributes {stable_mosaic.version = 14 : i64} {
  func.func @spmm(%arg0: i32, %arg1: i32, %arg2: memref<10240x128xf32, #tpu.memory_space<hbm>>, %arg3: memref<327680xi32, #tpu.memory_space<hbm>>, %arg4: memref<327680xi32, #tpu.memory_space<hbm>>, %arg5: memref<10240x128xf32, #tpu.memory_space<hbm>>, %arg6: memref<2x10240x128xf32, #tpu.memory_space<hbm>>, %arg7: memref<10240xi32, #tpu.memory_space<vmem>>, %arg8: memref<10240xi32, #tpu.memory_space<vmem>>, %arg9: memref<80x128xf32, #tpu.memory_space<vmem>>, %arg10: memref<80x128xf32, #tpu.memory_space<vmem>>, %arg11: memref<10240x128xf32, #tpu.memory_space<vmem_shared>>, %arg12: memref<!tpu.dma_semaphore, #tpu.memory_space<semaphore_mem>>, %arg13: memref<!tpu.dma_semaphore, #tpu.memory_space<semaphore_mem>>, %arg14: memref<!tpu.dma_semaphore, #tpu.memory_space<semaphore_mem>>) attributes {dimension_semantics = [#tpu.dimension_semantics<core_parallel>, #tpu.dimension_semantics<subcore_parallel>], iteration_bounds = array<i64: 2, 16>, scalar_prefetch = 0 : i64, scratch_operands = 8 : i64, tpu.core_type = #tpu.core_type<sc_vector_subcore>, window_params = [{transform_indices = #map}, {transform_indices = #map1}, {transform_indices = #map1}, {transform_indices = #map}, {transform_indices = #map2}]} {
    %mul3A = arith.constant 2 : i32
    %mul3A_0 = arith.muli %arg1, %mul3A : i32
    %add3A = arith.addi %mul3A_0, %arg0 : i32
    %mul3A_1 = arith.constant 10240 : i32
    %mul3A_2 = arith.muli %add3A, %mul3A_1 : i32
    %dma_start3A = tpu.memref_slice %arg3[%mul3A_2] : memref<327680xi32, #tpu.memory_space<hbm>> -> memref<10240xi32, #tpu.memory_space<hbm>>
    %dma_start3A_3 = tpu.memref_slice %arg3[%mul3A_2] : memref<327680xi32, #tpu.memory_space<hbm>> -> memref<10240xi32, #tpu.memory_space<hbm>>
    tpu.enqueue_dma source(%dma_start3A_3 : memref<10240xi32, #tpu.memory_space<hbm>>) target(%arg7 : memref<10240xi32, #tpu.memory_space<vmem>>) target_semaphore(%arg14 : memref<!tpu.dma_semaphore, #tpu.memory_space<semaphore_mem>>)
    %dma_start3A_4 = tpu.memref_slice %arg4[%mul3A_2] : memref<327680xi32, #tpu.memory_space<hbm>> -> memref<10240xi32, #tpu.memory_space<hbm>>
    %dma_start3A_5 = tpu.memref_slice %arg4[%mul3A_2] : memref<327680xi32, #tpu.memory_space<hbm>> -> memref<10240xi32, #tpu.memory_space<hbm>>
    tpu.enqueue_dma source(%dma_start3A_5 : memref<10240xi32, #tpu.memory_space<hbm>>) target(%arg8 : memref<10240xi32, #tpu.memory_space<vmem>>) target_semaphore(%arg14 : memref<!tpu.dma_semaphore, #tpu.memory_space<semaphore_mem>>)
    %mul3A_6 = arith.constant 640 : i32
    %mul3A_7 = arith.muli %arg1, %mul3A_6 : i32
    %mul3A_8 = arith.constant 640 : i32
    %mul3A_9 = arith.muli %arg1, %mul3A_8 : i32
    "tpu.region"() ({
      %run_scoped3A = tpu.sem_alloc : memref<!tpu.dma_semaphore, #tpu.memory_space<semaphore_mem>>
      %dma_start3A_27 = arith.constant 0 : i32
      %dma_start3A_28 = tpu.memref_slice %arg11[%mul3A_9, %dma_start3A_27] : memref<10240x128xf32, #tpu.memory_space<vmem_shared>> -> memref<640x128xf32, #tpu.memory_space<vmem_shared>>
      %dma_start3A_29 = arith.constant 0 : i32
      %dma_start3A_30 = tpu.memref_slice %arg5[%mul3A_7, %dma_start3A_29] : memref<10240x128xf32, #tpu.memory_space<hbm>> -> memref<640x128xf32, #tpu.memory_space<hbm>>
      tpu.enqueue_dma source(%dma_start3A_30 : memref<640x128xf32, #tpu.memory_space<hbm>>) target(%dma_start3A_28 : memref<640x128xf32, #tpu.memory_space<vmem_shared>>) target_semaphore(%run_scoped3A : memref<!tpu.dma_semaphore, #tpu.memory_space<semaphore_mem>>)
      %dma_wait3A_31 = arith.constant 0 : i32
      %dma_wait3A_32 = tpu.memref_slice %arg11[%mul3A_9, %dma_wait3A_31] : memref<10240x128xf32, #tpu.memory_space<vmem_shared>> -> memref<640x128xf32, #tpu.memory_space<vmem_shared>>
      %dma_wait3A_33 = arith.constant 0 : i32
      %dma_wait3A_34 = tpu.memref_slice %arg5[%mul3A_7, %dma_wait3A_33] : memref<10240x128xf32, #tpu.memory_space<hbm>> -> memref<640x128xf32, #tpu.memory_space<hbm>>
      tpu.wait_dma2 semaphore(%run_scoped3A : memref<!tpu.dma_semaphore, #tpu.memory_space<semaphore_mem>>) src(%dma_wait3A_34 : memref<640x128xf32, #tpu.memory_space<hbm>>) dst(%dma_wait3A_32 : memref<640x128xf32, #tpu.memory_space<vmem_shared>>)
      tpu.yield
    }) : () -> ()
    %dma_wait3A = tpu.memref_slice %arg3[%mul3A_2] : memref<327680xi32, #tpu.memory_space<hbm>> -> memref<10240xi32, #tpu.memory_space<hbm>>
    %dma_wait3A_10 = tpu.memref_slice %arg3[%mul3A_2] : memref<327680xi32, #tpu.memory_space<hbm>> -> memref<10240xi32, #tpu.memory_space<hbm>>
    tpu.wait_dma2 semaphore(%arg14 : memref<!tpu.dma_semaphore, #tpu.memory_space<semaphore_mem>>) src(%dma_wait3A_10 : memref<10240xi32, #tpu.memory_space<hbm>>) dst(%arg7 : memref<10240xi32, #tpu.memory_space<vmem>>)
    %dma_wait3A_11 = tpu.memref_slice %arg4[%mul3A_2] : memref<327680xi32, #tpu.memory_space<hbm>> -> memref<10240xi32, #tpu.memory_space<hbm>>
    %dma_wait3A_12 = tpu.memref_slice %arg4[%mul3A_2] : memref<327680xi32, #tpu.memory_space<hbm>> -> memref<10240xi32, #tpu.memory_space<hbm>>
    tpu.wait_dma2 semaphore(%arg14 : memref<!tpu.dma_semaphore, #tpu.memory_space<semaphore_mem>>) src(%dma_wait3A_12 : memref<10240xi32, #tpu.memory_space<hbm>>) dst(%arg8 : memref<10240xi32, #tpu.memory_space<vmem>>)
    %barrier3A = arith.constant 0 : index
    tpu.barrier barrier_id(%barrier3A)
    %dma_start3A_13 = arith.constant 0 : i32
    %dma_start3A_14 = tpu.memref_slice %arg7[%dma_start3A_13] : memref<10240xi32, #tpu.memory_space<vmem>> -> memref<80xi32, #tpu.memory_space<vmem>>
    %dma_start3A_15 = arith.constant 0 : i32
    %dma_start3A_16 = arith.constant 0 : i32
    %dma_start3A_17 = tpu.memref_slice %arg2[%dma_start3A_15, %dma_start3A_16] : memref<10240x128xf32, #tpu.memory_space<hbm>> -> memref<10240x128xf32, #tpu.memory_space<hbm>>
    tpu.enqueue_indirect_dma source(%dma_start3A_17 : memref<10240x128xf32, #tpu.memory_space<hbm>>) target(%arg9 : memref<80x128xf32, #tpu.memory_space<vmem>>) offsets(%dma_start3A_14 : memref<80xi32, #tpu.memory_space<vmem>>) semaphore(%arg12 : memref<!tpu.dma_semaphore, #tpu.memory_space<semaphore_mem>>)
    %scan3A = arith.constant 0 : i32
    %scan3A_18 = arith.constant 64 : i32
    %scan3A_19 = arith.addi %scan3A, %scan3A_18 : i32
    %scan3A_20 = arith.constant 1 : i32
    scf.for %scan3A_27 = %scan3A to %scan3A_19 step %scan3A_20  : i32 {
      %mul3A_28 = arith.constant 2 : i32
      %mul3A_29 = arith.muli %scan3A_27, %mul3A_28 : i32
      %add3A_30 = arith.constant 1 : i32
      %add3A_31 = arith.addi %mul3A_29, %add3A_30 : i32
      %mul3A_32 = arith.constant 80 : i32
      %mul3A_33 = arith.muli %add3A_31, %mul3A_32 : i32
      %dma_start3A_34 = tpu.memref_slice %arg7[%mul3A_33] : memref<10240xi32, #tpu.memory_space<vmem>> -> memref<80xi32, #tpu.memory_space<vmem>>
      %dma_start3A_35 = arith.constant 0 : i32
      %dma_start3A_36 = arith.constant 0 : i32
      %dma_start3A_37 = tpu.memref_slice %arg2[%dma_start3A_35, %dma_start3A_36] : memref<10240x128xf32, #tpu.memory_space<hbm>> -> memref<10240x128xf32, #tpu.memory_space<hbm>>
      tpu.enqueue_indirect_dma source(%dma_start3A_37 : memref<10240x128xf32, #tpu.memory_space<hbm>>) target(%arg10 : memref<80x128xf32, #tpu.memory_space<vmem>>) offsets(%dma_start3A_34 : memref<80xi32, #tpu.memory_space<vmem>>) semaphore(%arg13 : memref<!tpu.dma_semaphore, #tpu.memory_space<semaphore_mem>>)
      %mul3A_38 = arith.constant 80 : i32
      %mul3A_39 = arith.muli %mul3A_29, %mul3A_38 : i32
      %dma_wait3A_40 = tpu.memref_slice %arg7[%mul3A_39] : memref<10240xi32, #tpu.memory_space<vmem>> -> memref<80xi32, #tpu.memory_space<vmem>>
      %dma_wait3A_41 = arith.constant 0 : i32
      %dma_wait3A_42 = arith.constant 0 : i32
      %dma_wait3A_43 = tpu.memref_slice %arg2[%dma_wait3A_41, %dma_wait3A_42] : memref<10240x128xf32, #tpu.memory_space<hbm>> -> memref<10240x128xf32, #tpu.memory_space<hbm>>
      tpu.wait_indirect_dma semaphore(%arg12 : memref<!tpu.dma_semaphore, #tpu.memory_space<semaphore_mem>>) src(%dma_wait3A_43 : memref<10240x128xf32, #tpu.memory_space<hbm>>) dst(%arg9 : memref<80x128xf32, #tpu.memory_space<vmem>>)
      %mul3A_44 = arith.constant 80 : i32
      %mul3A_45 = arith.muli %mul3A_29, %mul3A_44 : i32
      "tpu.region"() ({
        %run_scoped3A = tpu.sem_alloc : memref<!tpu.dma_semaphore, #tpu.memory_space<semaphore_mem>>
        %dma_start3A_62 = tpu.memref_slice %arg8[%mul3A_45] : memref<10240xi32, #tpu.memory_space<vmem>> -> memref<80xi32, #tpu.memory_space<vmem>>
        %dma_start3A_63 = arith.constant 0 : i32
        %dma_start3A_64 = arith.constant 0 : i32
        %dma_start3A_65 = tpu.memref_slice %arg11[%dma_start3A_63, %dma_start3A_64] : memref<10240x128xf32, #tpu.memory_space<vmem_shared>> -> memref<10240x128xf32, #tpu.memory_space<vmem_shared>>
        tpu.enqueue_indirect_dma source(%arg9 : memref<80x128xf32, #tpu.memory_space<vmem>>) target(%dma_start3A_65 : memref<10240x128xf32, #tpu.memory_space<vmem_shared>>) offsets(%dma_start3A_62 : memref<80xi32, #tpu.memory_space<vmem>>) semaphore(%run_scoped3A : memref<!tpu.dma_semaphore, #tpu.memory_space<semaphore_mem>>) {add = true}
        %dma_wait3A_66 = tpu.memref_slice %arg8[%mul3A_45] : memref<10240xi32, #tpu.memory_space<vmem>> -> memref<80xi32, #tpu.memory_space<vmem>>
        %dma_wait3A_67 = arith.constant 0 : i32
        %dma_wait3A_68 = arith.constant 0 : i32
        %dma_wait3A_69 = tpu.memref_slice %arg11[%dma_wait3A_67, %dma_wait3A_68] : memref<10240x128xf32, #tpu.memory_space<vmem_shared>> -> memref<10240x128xf32, #tpu.memory_space<vmem_shared>>
        tpu.wait_indirect_dma semaphore(%run_scoped3A : memref<!tpu.dma_semaphore, #tpu.memory_space<semaphore_mem>>) src(%arg9 : memref<80x128xf32, #tpu.memory_space<vmem>>) dst(%dma_wait3A_69 : memref<10240x128xf32, #tpu.memory_space<vmem_shared>>)
        tpu.yield
      }) : () -> ()
      %add3A_46 = arith.constant 1 : i32
      %add3A_47 = arith.addi %scan3A_27, %add3A_46 : i32
      %lt3A = arith.constant 64 : i32
      %lt3A_48 = arith.cmpi slt, %add3A_47, %lt3A : i32
      %convert_element_type3A = arith.extui %lt3A_48 : i1 to i32
      %cond3A = arith.constant 0 : i32
      %cond3A_49 = arith.cmpi ne, %convert_element_type3A, %cond3A : i32
      scf.if %cond3A_49 {
        %add3A_62 = arith.constant 2 : i32
        %add3A_63 = arith.addi %mul3A_29, %add3A_62 : i32
        %mul3A_64 = arith.constant 80 : i32
        %mul3A_65 = arith.muli %add3A_63, %mul3A_64 : i32
        %dma_start3A_66 = tpu.memref_slice %arg7[%mul3A_65] : memref<10240xi32, #tpu.memory_space<vmem>> -> memref<80xi32, #tpu.memory_space<vmem>>
        %dma_start3A_67 = arith.constant 0 : i32
        %dma_start3A_68 = arith.constant 0 : i32
        %dma_start3A_69 = tpu.memref_slice %arg2[%dma_start3A_67, %dma_start3A_68] : memref<10240x128xf32, #tpu.memory_space<hbm>> -> memref<10240x128xf32, #tpu.memory_space<hbm>>
        tpu.enqueue_indirect_dma source(%dma_start3A_69 : memref<10240x128xf32, #tpu.memory_space<hbm>>) target(%arg9 : memref<80x128xf32, #tpu.memory_space<vmem>>) offsets(%dma_start3A_66 : memref<80xi32, #tpu.memory_space<vmem>>) semaphore(%arg12 : memref<!tpu.dma_semaphore, #tpu.memory_space<semaphore_mem>>)
      } else {
      }
      %add3A_50 = arith.constant 1 : i32
      %add3A_51 = arith.addi %mul3A_29, %add3A_50 : i32
      %mul3A_52 = arith.constant 80 : i32
      %mul3A_53 = arith.muli %add3A_51, %mul3A_52 : i32
      %dma_wait3A_54 = tpu.memref_slice %arg7[%mul3A_53] : memref<10240xi32, #tpu.memory_space<vmem>> -> memref<80xi32, #tpu.memory_space<vmem>>
      %dma_wait3A_55 = arith.constant 0 : i32
      %dma_wait3A_56 = arith.constant 0 : i32
      %dma_wait3A_57 = tpu.memref_slice %arg2[%dma_wait3A_55, %dma_wait3A_56] : memref<10240x128xf32, #tpu.memory_space<hbm>> -> memref<10240x128xf32, #tpu.memory_space<hbm>>
      tpu.wait_indirect_dma semaphore(%arg13 : memref<!tpu.dma_semaphore, #tpu.memory_space<semaphore_mem>>) src(%dma_wait3A_57 : memref<10240x128xf32, #tpu.memory_space<hbm>>) dst(%arg10 : memref<80x128xf32, #tpu.memory_space<vmem>>)
      %add3A_58 = arith.constant 1 : i32
      %add3A_59 = arith.addi %mul3A_29, %add3A_58 : i32
      %mul3A_60 = arith.constant 80 : i32
      %mul3A_61 = arith.muli %add3A_59, %mul3A_60 : i32
      "tpu.region"() ({
        %run_scoped3A = tpu.sem_alloc : memref<!tpu.dma_semaphore, #tpu.memory_space<semaphore_mem>>
        %dma_start3A_62 = tpu.memref_slice %arg8[%mul3A_61] : memref<10240xi32, #tpu.memory_space<vmem>> -> memref<80xi32, #tpu.memory_space<vmem>>
        %dma_start3A_63 = arith.constant 0 : i32
        %dma_start3A_64 = arith.constant 0 : i32
        %dma_start3A_65 = tpu.memref_slice %arg11[%dma_start3A_63, %dma_start3A_64] : memref<10240x128xf32, #tpu.memory_space<vmem_shared>> -> memref<10240x128xf32, #tpu.memory_space<vmem_shared>>
        tpu.enqueue_indirect_dma source(%arg10 : memref<80x128xf32, #tpu.memory_space<vmem>>) target(%dma_start3A_65 : memref<10240x128xf32, #tpu.memory_space<vmem_shared>>) offsets(%dma_start3A_62 : memref<80xi32, #tpu.memory_space<vmem>>) semaphore(%run_scoped3A : memref<!tpu.dma_semaphore, #tpu.memory_space<semaphore_mem>>) {add = true}
        %dma_wait3A_66 = tpu.memref_slice %arg8[%mul3A_61] : memref<10240xi32, #tpu.memory_space<vmem>> -> memref<80xi32, #tpu.memory_space<vmem>>
        %dma_wait3A_67 = arith.constant 0 : i32
        %dma_wait3A_68 = arith.constant 0 : i32
        %dma_wait3A_69 = tpu.memref_slice %arg11[%dma_wait3A_67, %dma_wait3A_68] : memref<10240x128xf32, #tpu.memory_space<vmem_shared>> -> memref<10240x128xf32, #tpu.memory_space<vmem_shared>>
        tpu.wait_indirect_dma semaphore(%run_scoped3A : memref<!tpu.dma_semaphore, #tpu.memory_space<semaphore_mem>>) src(%arg10 : memref<80x128xf32, #tpu.memory_space<vmem>>) dst(%dma_wait3A_69 : memref<10240x128xf32, #tpu.memory_space<vmem_shared>>)
        tpu.yield
      }) : () -> ()
    }
    %scan3A_21 = arith.constant 64 : i32
    %barrier3A_22 = arith.constant 0 : index
    tpu.barrier barrier_id(%barrier3A_22)
    %mul3A_23 = arith.constant 640 : i32
    %mul3A_24 = arith.muli %arg1, %mul3A_23 : i32
    %mul3A_25 = arith.constant 640 : i32
    %mul3A_26 = arith.muli %arg1, %mul3A_25 : i32
    "tpu.region"() ({
      %run_scoped3A = tpu.sem_alloc : memref<!tpu.dma_semaphore, #tpu.memory_space<semaphore_mem>>
      %dma_start3A_27 = arith.constant 0 : i32
      %dma_start3A_28 = tpu.memref_slice %arg6[%arg0, %mul3A_26, %dma_start3A_27] : memref<2x10240x128xf32, #tpu.memory_space<hbm>> -> memref<1x640x128xf32, #tpu.memory_space<hbm>>
      %dma_start3A_29 = tpu.memref_squeeze %dma_start3A_28 : memref<1x640x128xf32, #tpu.memory_space<hbm>> -> memref<640x128xf32, #tpu.memory_space<hbm>>
      %dma_start3A_30 = arith.constant 0 : i32
      %dma_start3A_31 = tpu.memref_slice %arg11[%mul3A_24, %dma_start3A_30] : memref<10240x128xf32, #tpu.memory_space<vmem_shared>> -> memref<640x128xf32, #tpu.memory_space<vmem_shared>>
      tpu.enqueue_dma source(%dma_start3A_31 : memref<640x128xf32, #tpu.memory_space<vmem_shared>>) target(%dma_start3A_29 : memref<640x128xf32, #tpu.memory_space<hbm>>) target_semaphore(%run_scoped3A : memref<!tpu.dma_semaphore, #tpu.memory_space<semaphore_mem>>)
      %dma_wait3A_32 = arith.constant 0 : i32
      %dma_wait3A_33 = tpu.memref_slice %arg6[%arg0, %mul3A_26, %dma_wait3A_32] : memref<2x10240x128xf32, #tpu.memory_space<hbm>> -> memref<1x640x128xf32, #tpu.memory_space<hbm>>
      %dma_wait3A_34 = tpu.memref_squeeze %dma_wait3A_33 : memref<1x640x128xf32, #tpu.memory_space<hbm>> -> memref<640x128xf32, #tpu.memory_space<hbm>>
      %dma_wait3A_35 = arith.constant 0 : i32
      %dma_wait3A_36 = tpu.memref_slice %arg11[%mul3A_24, %dma_wait3A_35] : memref<10240x128xf32, #tpu.memory_space<vmem_shared>> -> memref<640x128xf32, #tpu.memory_space<vmem_shared>>
      tpu.wait_dma2 semaphore(%run_scoped3A : memref<!tpu.dma_semaphore, #tpu.memory_space<semaphore_mem>>) src(%dma_wait3A_36 : memref<640x128xf32, #tpu.memory_space<vmem_shared>>) dst(%dma_wait3A_34 : memref<640x128xf32, #tpu.memory_space<hbm>>)
      tpu.yield
    }) : () -> ()
    return
  }
}

#map = affine_map<(d0, d1) -> (0, 0)>
#map1 = affine_map<(d0, d1) -> (0)>
#map2 = affine_map<(d0, d1) -> (0, 0, 0)>
module attributes {stable_mosaic.version = 14 : i64} {
  func.func @spmm(%arg0: i32, %arg1: i32, %arg2: memref<10240x128xf32, #tpu.memory_space<hbm>>, %arg3: memref<327680xi32, #tpu.memory_space<hbm>>, %arg4: memref<327680xi32, #tpu.memory_space<hbm>>, %arg5: memref<10240x128xf32, #tpu.memory_space<hbm>>, %arg6: memref<2x10240x128xf32, #tpu.memory_space<hbm>>, %arg7: memref<10240xi32, #tpu.memory_space<vmem>>, %arg8: memref<10240xi32, #tpu.memory_space<vmem>>, %arg9: memref<80x128xf32, #tpu.memory_space<vmem>>, %arg10: memref<80x128xf32, #tpu.memory_space<vmem>>, %arg11: memref<10240x128xf32, #tpu.memory_space<vmem_shared>>, %arg12: memref<!tpu.dma_semaphore, #tpu.memory_space<semaphore_mem>>, %arg13: memref<!tpu.dma_semaphore, #tpu.memory_space<semaphore_mem>>, %arg14: memref<!tpu.dma_semaphore, #tpu.memory_space<semaphore_mem>>) attributes {dimension_semantics = [#tpu.dimension_semantics<core_parallel>, #tpu.dimension_semantics<subcore_parallel>], iteration_bounds = array<i64: 2, 16>, scalar_prefetch = 0 : i64, scratch_operands = 8 : i64, tpu.core_type = #tpu.core_type<sc_vector_subcore>, window_params = [{transform_indices = #map}, {transform_indices = #map1}, {transform_indices = #map1}, {transform_indices = #map}, {transform_indices = #map2}]} {
    %mul3A = arith.constant 2 : i32
    %mul3A_0 = arith.muli %arg1, %mul3A : i32
    %add3A = arith.addi %mul3A_0, %arg0 : i32
    %mul3A_1 = arith.constant 10240 : i32
    %mul3A_2 = arith.muli %add3A, %mul3A_1 : i32
    %dma_start3A = tpu.memref_slice %arg3[%mul3A_2] : memref<327680xi32, #tpu.memory_space<hbm>> -> memref<10240xi32, #tpu.memory_space<hbm>>
    %dma_start3A_3 = tpu.memref_slice %arg3[%mul3A_2] : memref<327680xi32, #tpu.memory_space<hbm>> -> memref<10240xi32, #tpu.memory_space<hbm>>
    tpu.enqueue_dma source(%dma_start3A_3 : memref<10240xi32, #tpu.memory_space<hbm>>) target(%arg7 : memref<10240xi32, #tpu.memory_space<vmem>>) target_semaphore(%arg14 : memref<!tpu.dma_semaphore, #tpu.memory_space<semaphore_mem>>)
    %dma_start3A_4 = tpu.memref_slice %arg4[%mul3A_2] : memref<327680xi32, #tpu.memory_space<hbm>> -> memref<10240xi32, #tpu.memory_space<hbm>>
    %dma_start3A_5 = tpu.memref_slice %arg4[%mul3A_2] : memref<327680xi32, #tpu.memory_space<hbm>> -> memref<10240xi32, #tpu.memory_space<hbm>>
    tpu.enqueue_dma source(%dma_start3A_5 : memref<10240xi32, #tpu.memory_space<hbm>>) target(%arg8 : memref<10240xi32, #tpu.memory_space<vmem>>) target_semaphore(%arg14 : memref<!tpu.dma_semaphore, #tpu.memory_space<semaphore_mem>>)
    %mul3A_6 = arith.constant 640 : i32
    %mul3A_7 = arith.muli %arg1, %mul3A_6 : i32
    %mul3A_8 = arith.constant 640 : i32
    %mul3A_9 = arith.muli %arg1, %mul3A_8 : i32
    "tpu.region"() ({
      %run_scoped3A = tpu.sem_alloc : memref<!tpu.dma_semaphore, #tpu.memory_space<semaphore_mem>>
      %dma_start3A_27 = arith.constant 0 : i32
      %dma_start3A_28 = tpu.memref_slice %arg11[%mul3A_9, %dma_start3A_27] : memref<10240x128xf32, #tpu.memory_space<vmem_shared>> -> memref<640x128xf32, #tpu.memory_space<vmem_shared>>
      %dma_start3A_29 = arith.constant 0 : i32
      %dma_start3A_30 = tpu.memref_slice %arg5[%mul3A_7, %dma_start3A_29] : memref<10240x128xf32, #tpu.memory_space<hbm>> -> memref<640x128xf32, #tpu.memory_space<hbm>>
      tpu.enqueue_dma source(%dma_start3A_30 : memref<640x128xf32, #tpu.memory_space<hbm>>) target(%dma_start3A_28 : memref<640x128xf32, #tpu.memory_space<vmem_shared>>) target_semaphore(%run_scoped3A : memref<!tpu.dma_semaphore, #tpu.memory_space<semaphore_mem>>)
      %dma_wait3A_31 = arith.constant 0 : i32
      %dma_wait3A_32 = tpu.memref_slice %arg11[%mul3A_9, %dma_wait3A_31] : memref<10240x128xf32, #tpu.memory_space<vmem_shared>> -> memref<640x128xf32, #tpu.memory_space<vmem_shared>>
      %dma_wait3A_33 = arith.constant 0 : i32
      %dma_wait3A_34 = tpu.memref_slice %arg5[%mul3A_7, %dma_wait3A_33] : memref<10240x128xf32, #tpu.memory_space<hbm>> -> memref<640x128xf32, #tpu.memory_space<hbm>>
      tpu.wait_dma2 semaphore(%run_scoped3A : memref<!tpu.dma_semaphore, #tpu.memory_space<semaphore_mem>>) src(%dma_wait3A_34 : memref<640x128xf32, #tpu.memory_space<hbm>>) dst(%dma_wait3A_32 : memref<640x128xf32, #tpu.memory_space<vmem_shared>>)
      tpu.yield
    }) : () -> ()
    %dma_wait3A = tpu.memref_slice %arg3[%mul3A_2] : memref<327680xi32, #tpu.memory_space<hbm>> -> memref<10240xi32, #tpu.memory_space<hbm>>
    %dma_wait3A_10 = tpu.memref_slice %arg3[%mul3A_2] : memref<327680xi32, #tpu.memory_space<hbm>> -> memref<10240xi32, #tpu.memory_space<hbm>>
    tpu.wait_dma2 semaphore(%arg14 : memref<!tpu.dma_semaphore, #tpu.memory_space<semaphore_mem>>) src(%dma_wait3A_10 : memref<10240xi32, #tpu.memory_space<hbm>>) dst(%arg7 : memref<10240xi32, #tpu.memory_space<vmem>>)
    %dma_wait3A_11 = tpu.memref_slice %arg4[%mul3A_2] : memref<327680xi32, #tpu.memory_space<hbm>> -> memref<10240xi32, #tpu.memory_space<hbm>>
    %dma_wait3A_12 = tpu.memref_slice %arg4[%mul3A_2] : memref<327680xi32, #tpu.memory_space<hbm>> -> memref<10240xi32, #tpu.memory_space<hbm>>
    tpu.wait_dma2 semaphore(%arg14 : memref<!tpu.dma_semaphore, #tpu.memory_space<semaphore_mem>>) src(%dma_wait3A_12 : memref<10240xi32, #tpu.memory_space<hbm>>) dst(%arg8 : memref<10240xi32, #tpu.memory_space<vmem>>)
    %barrier3A = arith.constant 0 : index
    tpu.barrier barrier_id(%barrier3A)
    %dma_start3A_13 = arith.constant 0 : i32
    %dma_start3A_14 = tpu.memref_slice %arg7[%dma_start3A_13] : memref<10240xi32, #tpu.memory_space<vmem>> -> memref<80xi32, #tpu.memory_space<vmem>>
    %dma_start3A_15 = arith.constant 0 : i32
    %dma_start3A_16 = arith.constant 0 : i32
    %dma_start3A_17 = tpu.memref_slice %arg2[%dma_start3A_15, %dma_start3A_16] : memref<10240x128xf32, #tpu.memory_space<hbm>> -> memref<10240x128xf32, #tpu.memory_space<hbm>>
    tpu.enqueue_indirect_dma source(%dma_start3A_17 : memref<10240x128xf32, #tpu.memory_space<hbm>>) target(%arg9 : memref<80x128xf32, #tpu.memory_space<vmem>>) offsets(%dma_start3A_14 : memref<80xi32, #tpu.memory_space<vmem>>) semaphore(%arg12 : memref<!tpu.dma_semaphore, #tpu.memory_space<semaphore_mem>>)
    %scan3A = arith.constant 0 : i32
    %scan3A_18 = arith.constant 64 : i32
    %scan3A_19 = arith.addi %scan3A, %scan3A_18 : i32
    %scan3A_20 = arith.constant 1 : i32
    scf.for %scan3A_27 = %scan3A to %scan3A_19 step %scan3A_20  : i32 {
      %mul3A_28 = arith.constant 2 : i32
      %mul3A_29 = arith.muli %scan3A_27, %mul3A_28 : i32
      %add3A_30 = arith.constant 1 : i32
      %add3A_31 = arith.addi %mul3A_29, %add3A_30 : i32
      %mul3A_32 = arith.constant 80 : i32
      %mul3A_33 = arith.muli %add3A_31, %mul3A_32 : i32
      %dma_start3A_34 = tpu.memref_slice %arg7[%mul3A_33] : memref<10240xi32, #tpu.memory_space<vmem>> -> memref<80xi32, #tpu.memory_space<vmem>>
      %dma_start3A_35 = arith.constant 0 : i32
      %dma_start3A_36 = arith.constant 0 : i32
      %dma_start3A_37 = tpu.memref_slice %arg2[%dma_start3A_35, %dma_start3A_36] : memref<10240x128xf32, #tpu.memory_space<hbm>> -> memref<10240x128xf32, #tpu.memory_space<hbm>>
      tpu.enqueue_indirect_dma source(%dma_start3A_37 : memref<10240x128xf32, #tpu.memory_space<hbm>>) target(%arg10 : memref<80x128xf32, #tpu.memory_space<vmem>>) offsets(%dma_start3A_34 : memref<80xi32, #tpu.memory_space<vmem>>) semaphore(%arg13 : memref<!tpu.dma_semaphore, #tpu.memory_space<semaphore_mem>>)
      %mul3A_38 = arith.constant 80 : i32
      %mul3A_39 = arith.muli %mul3A_29, %mul3A_38 : i32
      %dma_wait3A_40 = tpu.memref_slice %arg7[%mul3A_39] : memref<10240xi32, #tpu.memory_space<vmem>> -> memref<80xi32, #tpu.memory_space<vmem>>
      %dma_wait3A_41 = arith.constant 0 : i32
      %dma_wait3A_42 = arith.constant 0 : i32
      %dma_wait3A_43 = tpu.memref_slice %arg2[%dma_wait3A_41, %dma_wait3A_42] : memref<10240x128xf32, #tpu.memory_space<hbm>> -> memref<10240x128xf32, #tpu.memory_space<hbm>>
      tpu.wait_indirect_dma semaphore(%arg12 : memref<!tpu.dma_semaphore, #tpu.memory_space<semaphore_mem>>) src(%dma_wait3A_43 : memref<10240x128xf32, #tpu.memory_space<hbm>>) dst(%arg9 : memref<80x128xf32, #tpu.memory_space<vmem>>)
      %mul3A_44 = arith.constant 80 : i32
      %mul3A_45 = arith.muli %mul3A_29, %mul3A_44 : i32
      "tpu.region"() ({
        %run_scoped3A = tpu.sem_alloc : memref<!tpu.dma_semaphore, #tpu.memory_space<semaphore_mem>>
        %dma_start3A_62 = tpu.memref_slice %arg8[%mul3A_45] : memref<10240xi32, #tpu.memory_space<vmem>> -> memref<80xi32, #tpu.memory_space<vmem>>
        %dma_start3A_63 = arith.constant 0 : i32
        %dma_start3A_64 = arith.constant 0 : i32
        %dma_start3A_65 = tpu.memref_slice %arg11[%dma_start3A_63, %dma_start3A_64] : memref<10240x128xf32, #tpu.memory_space<vmem_shared>> -> memref<10240x128xf32, #tpu.memory_space<vmem_shared>>
        tpu.enqueue_indirect_dma source(%arg9 : memref<80x128xf32, #tpu.memory_space<vmem>>) target(%dma_start3A_65 : memref<10240x128xf32, #tpu.memory_space<vmem_shared>>) offsets(%dma_start3A_62 : memref<80xi32, #tpu.memory_space<vmem>>) semaphore(%run_scoped3A : memref<!tpu.dma_semaphore, #tpu.memory_space<semaphore_mem>>) {add = true}
        %dma_wait3A_66 = tpu.memref_slice %arg8[%mul3A_45] : memref<10240xi32, #tpu.memory_space<vmem>> -> memref<80xi32, #tpu.memory_space<vmem>>
        %dma_wait3A_67 = arith.constant 0 : i32
        %dma_wait3A_68 = arith.constant 0 : i32
        %dma_wait3A_69 = tpu.memref_slice %arg11[%dma_wait3A_67, %dma_wait3A_68] : memref<10240x128xf32, #tpu.memory_space<vmem_shared>> -> memref<10240x128xf32, #tpu.memory_space<vmem_shared>>
        tpu.wait_indirect_dma semaphore(%run_scoped3A : memref<!tpu.dma_semaphore, #tpu.memory_space<semaphore_mem>>) src(%arg9 : memref<80x128xf32, #tpu.memory_space<vmem>>) dst(%dma_wait3A_69 : memref<10240x128xf32, #tpu.memory_space<vmem_shared>>)
        tpu.yield
      }) : () -> ()
      %add3A_46 = arith.constant 1 : i32
      %add3A_47 = arith.addi %scan3A_27, %add3A_46 : i32
      %lt3A = arith.constant 64 : i32
      %lt3A_48 = arith.cmpi slt, %add3A_47, %lt3A : i32
      %convert_element_type3A = arith.extui %lt3A_48 : i1 to i32
      %cond3A = arith.constant 0 : i32
      %cond3A_49 = arith.cmpi ne, %convert_element_type3A, %cond3A : i32
      scf.if %cond3A_49 {
        %add3A_62 = arith.constant 2 : i32
        %add3A_63 = arith.addi %mul3A_29, %add3A_62 : i32
        %mul3A_64 = arith.constant 80 : i32
        %mul3A_65 = arith.muli %add3A_63, %mul3A_64 : i32
        %dma_start3A_66 = tpu.memref_slice %arg7[%mul3A_65] : memref<10240xi32, #tpu.memory_space<vmem>> -> memref<80xi32, #tpu.memory_space<vmem>>
        %dma_start3A_67 = arith.constant 0 : i32
        %dma_start3A_68 = arith.constant 0 : i32
        %dma_start3A_69 = tpu.memref_slice %arg2[%dma_start3A_67, %dma_start3A_68] : memref<10240x128xf32, #tpu.memory_space<hbm>> -> memref<10240x128xf32, #tpu.memory_space<hbm>>
        tpu.enqueue_indirect_dma source(%dma_start3A_69 : memref<10240x128xf32, #tpu.memory_space<hbm>>) target(%arg9 : memref<80x128xf32, #tpu.memory_space<vmem>>) offsets(%dma_start3A_66 : memref<80xi32, #tpu.memory_space<vmem>>) semaphore(%arg12 : memref<!tpu.dma_semaphore, #tpu.memory_space<semaphore_mem>>)
      } else {
      }
      %add3A_50 = arith.constant 1 : i32
      %add3A_51 = arith.addi %mul3A_29, %add3A_50 : i32
      %mul3A_52 = arith.constant 80 : i32
      %mul3A_53 = arith.muli %add3A_51, %mul3A_52 : i32
      %dma_wait3A_54 = tpu.memref_slice %arg7[%mul3A_53] : memref<10240xi32, #tpu.memory_space<vmem>> -> memref<80xi32, #tpu.memory_space<vmem>>
      %dma_wait3A_55 = arith.constant 0 : i32
      %dma_wait3A_56 = arith.constant 0 : i32
      %dma_wait3A_57 = tpu.memref_slice %arg2[%dma_wait3A_55, %dma_wait3A_56] : memref<10240x128xf32, #tpu.memory_space<hbm>> -> memref<10240x128xf32, #tpu.memory_space<hbm>>
      tpu.wait_indirect_dma semaphore(%arg13 : memref<!tpu.dma_semaphore, #tpu.memory_space<semaphore_mem>>) src(%dma_wait3A_57 : memref<10240x128xf32, #tpu.memory_space<hbm>>) dst(%arg10 : memref<80x128xf32, #tpu.memory_space<vmem>>)
      %add3A_58 = arith.constant 1 : i32
      %add3A_59 = arith.addi %mul3A_29, %add3A_58 : i32
      %mul3A_60 = arith.constant 80 : i32
      %mul3A_61 = arith.muli %add3A_59, %mul3A_60 : i32
      "tpu.region"() ({
        %run_scoped3A = tpu.sem_alloc : memref<!tpu.dma_semaphore, #tpu.memory_space<semaphore_mem>>
        %dma_start3A_62 = tpu.memref_slice %arg8[%mul3A_61] : memref<10240xi32, #tpu.memory_space<vmem>> -> memref<80xi32, #tpu.memory_space<vmem>>
        %dma_start3A_63 = arith.constant 0 : i32
        %dma_start3A_64 = arith.constant 0 : i32
        %dma_start3A_65 = tpu.memref_slice %arg11[%dma_start3A_63, %dma_start3A_64] : memref<10240x128xf32, #tpu.memory_space<vmem_shared>> -> memref<10240x128xf32, #tpu.memory_space<vmem_shared>>
        tpu.enqueue_indirect_dma source(%arg10 : memref<80x128xf32, #tpu.memory_space<vmem>>) target(%dma_start3A_65 : memref<10240x128xf32, #tpu.memory_space<vmem_shared>>) offsets(%dma_start3A_62 : memref<80xi32, #tpu.memory_space<vmem>>) semaphore(%run_scoped3A : memref<!tpu.dma_semaphore, #tpu.memory_space<semaphore_mem>>) {add = true}
        %dma_wait3A_66 = tpu.memref_slice %arg8[%mul3A_61] : memref<10240xi32, #tpu.memory_space<vmem>> -> memref<80xi32, #tpu.memory_space<vmem>>
        %dma_wait3A_67 = arith.constant 0 : i32
        %dma_wait3A_68 = arith.constant 0 : i32
        %dma_wait3A_69 = tpu.memref_slice %arg11[%dma_wait3A_67, %dma_wait3A_68] : memref<10240x128xf32, #tpu.memory_space<vmem_shared>> -> memref<10240x128xf32, #tpu.memory_space<vmem_shared>>
        tpu.wait_indirect_dma semaphore(%run_scoped3A : memref<!tpu.dma_semaphore, #tpu.memory_space<semaphore_mem>>) src(%arg10 : memref<80x128xf32, #tpu.memory_space<vmem>>) dst(%dma_wait3A_69 : memref<10240x128xf32, #tpu.memory_space<vmem_shared>>)
        tpu.yield
      }) : () -> ()
    }
    %scan3A_21 = arith.constant 64 : i32
    %barrier3A_22 = arith.constant 0 : index
    tpu.barrier barrier_id(%barrier3A_22)
    %mul3A_23 = arith.constant 640 : i32
    %mul3A_24 = arith.muli %arg1, %mul3A_23 : i32
    %mul3A_25 = arith.constant 640 : i32
    %mul3A_26 = arith.muli %arg1, %mul3A_25 : i32
    "tpu.region"() ({
      %run_scoped3A = tpu.sem_alloc : memref<!tpu.dma_semaphore, #tpu.memory_space<semaphore_mem>>
      %dma_start3A_27 = arith.constant 0 : i32
      %dma_start3A_28 = tpu.memref_slice %arg6[%arg0, %mul3A_26, %dma_start3A_27] : memref<2x10240x128xf32, #tpu.memory_space<hbm>> -> memref<1x640x128xf32, #tpu.memory_space<hbm>>
      %dma_start3A_29 = tpu.memref_squeeze %dma_start3A_28 : memref<1x640x128xf32, #tpu.memory_space<hbm>> -> memref<640x128xf32, #tpu.memory_space<hbm>>
      %dma_start3A_30 = arith.constant 0 : i32
      %dma_start3A_31 = tpu.memref_slice %arg11[%mul3A_24, %dma_start3A_30] : memref<10240x128xf32, #tpu.memory_space<vmem_shared>> -> memref<640x128xf32, #tpu.memory_space<vmem_shared>>
      tpu.enqueue_dma source(%dma_start3A_31 : memref<640x128xf32, #tpu.memory_space<vmem_shared>>) target(%dma_start3A_29 : memref<640x128xf32, #tpu.memory_space<hbm>>) target_semaphore(%run_scoped3A : memref<!tpu.dma_semaphore, #tpu.memory_space<semaphore_mem>>)
      %dma_wait3A_32 = arith.constant 0 : i32
      %dma_wait3A_33 = tpu.memref_slice %arg6[%arg0, %mul3A_26, %dma_wait3A_32] : memref<2x10240x128xf32, #tpu.memory_space<hbm>> -> memref<1x640x128xf32, #tpu.memory_space<hbm>>
      %dma_wait3A_34 = tpu.memref_squeeze %dma_wait3A_33 : memref<1x640x128xf32, #tpu.memory_space<hbm>> -> memref<640x128xf32, #tpu.memory_space<hbm>>
      %dma_wait3A_35 = arith.constant 0 : i32
      %dma_wait3A_36 = tpu.memref_slice %arg11[%mul3A_24, %dma_wait3A_35] : memref<10240x128xf32, #tpu.memory_space<vmem_shared>> -> memref<640x128xf32, #tpu.memory_space<vmem_shared>>
      tpu.wait_dma2 semaphore(%run_scoped3A : memref<!tpu.dma_semaphore, #tpu.memory_space<semaphore_mem>>) src(%dma_wait3A_36 : memref<640x128xf32, #tpu.memory_space<vmem_shared>>) dst(%dma_wait3A_34 : memref<640x128xf32, #tpu.memory_space<hbm>>)
      tpu.yield
    }) : () -> ()
    return
  }
}

module attributes {stable_mosaic.version = 14 : i64} {
  func.func @_dinv_body(%arg0: memref<2x80x128xf32, #tpu.memory_space<vmem>>, %arg1: memref<80x128xf32, #tpu.memory_space<vmem>>) attributes {dimension_semantics = [], scalar_prefetch = 0 : i64, scratch_operands = 0 : i64, tpu.core_type = #tpu.core_type<tc>} {
    %get3A = arith.constant 0 : index
    %get3A_0 = arith.constant 0 : index
    %get3A_1 = arith.constant 0 : index
    %get3A_2 = vector.load %arg0[%get3A, %get3A_0, %get3A_1] : memref<2x80x128xf32, #tpu.memory_space<vmem>>, vector<1x80x128xf32>
    %get3A_3 = vector.shape_cast %get3A_2 : vector<1x80x128xf32> to vector<80x128xf32>
    %get3A_4 = arith.constant 1 : index
    %get3A_5 = arith.constant 0 : index
    %get3A_6 = arith.constant 0 : index
    %get3A_7 = vector.load %arg0[%get3A_4, %get3A_5, %get3A_6] : memref<2x80x128xf32, #tpu.memory_space<vmem>>, vector<1x80x128xf32>
    %get3A_8 = vector.shape_cast %get3A_7 : vector<1x80x128xf32> to vector<80x128xf32>
    %add3A = arith.addf %get3A_3, %get3A_8 : vector<80x128xf32>
    %add3A_9 = arith.constant 1.000000e+00 : f32
    %add3A_10 = vector.broadcast %add3A_9 : f32 to vector<80x128xf32>
    %add3A_11 = arith.addf %add3A, %add3A_10 : vector<80x128xf32>
    %rsqrt3A = math.rsqrt %add3A_11 : vector<80x128xf32>
    %swap3A = arith.constant 0 : index
    %swap3A_12 = arith.constant 0 : index
    %swap3A_13 = vector.load %arg1[%swap3A, %swap3A_12] : memref<80x128xf32, #tpu.memory_space<vmem>>, vector<80x128xf32>
    tpu.vector_store %arg1[%swap3A, %swap3A_12], %rsqrt3A {strides = array<i32>} : memref<80x128xf32, #tpu.memory_space<vmem>>, vector<80x128xf32>,
    return
  }
}

module attributes {stable_mosaic.version = 14 : i64} {
  func.func @_mm1_body(%arg0: i32, %arg1: memref<1024x128xf32, #tpu.memory_space<vmem>>, %arg2: memref<128x128xf32, #tpu.memory_space<vmem>>, %arg3: memref<1024x1xf32, #tpu.memory_space<vmem>>, %arg4: memref<1024x128xf32, #tpu.memory_space<vmem>>) attributes {dimension_semantics = [#tpu.dimension_semantics<arbitrary>], iteration_bounds = array<i64: 10>, scalar_prefetch = 0 : i64, scratch_operands = 0 : i64, tpu.core_type = #tpu.core_type<tc>, window_params = [{transform_indices = @transform_0, window_bounds = array<i64: 1024, 128>}, {pipeline_mode = #tpu.pipeline_mode<synchronous>, transform_indices = @transform_1, window_bounds = array<i64: 128, 128>}, {transform_indices = @transform_2, window_bounds = array<i64: 1024, 1>}, {transform_indices = @transform_3, window_bounds = array<i64: 1024, 128>}]} {
    %get3A = arith.constant 0 : index
    %get3A_0 = arith.constant 0 : index
    %get3A_1 = vector.load %arg1[%get3A, %get3A_0] : memref<1024x128xf32, #tpu.memory_space<vmem>>, vector<1024x128xf32>
    %get3A_2 = arith.constant 0 : index
    %get3A_3 = arith.constant 0 : index
    %get3A_4 = vector.load %arg2[%get3A_2, %get3A_3] : memref<128x128xf32, #tpu.memory_space<vmem>>, vector<128x128xf32>
    %dot_general3A = arith.constant dense<0.000000e+00> : vector<1024x128xf32>
    %dot_general3A_5 = tpu.matmul %get3A_1, %get3A_4, %dot_general3A {dimension_numbers = #tpu.dot_dimension_numbers<[1], [0], [0], [1], [0, 0, 1, 1], [], []>, transpose_lhs_hint = false} : vector<1024x128xf32>, vector<128x128xf32>, vector<1024x128xf32> -> vector<1024x128xf32>
    %get3A_6 = arith.constant 0 : index
    %get3A_7 = arith.constant 0 : index
    %get3A_8 = vector.load %arg3[%get3A_6, %get3A_7] : memref<1024x1xf32, #tpu.memory_space<vmem>>, vector<1024x1xf32>
    %mul3A = vector.broadcast %get3A_8 : vector<1024x1xf32> to vector<1024x128xf32>
    %mul3A_9 = arith.mulf %dot_general3A_5, %mul3A : vector<1024x128xf32>
    %swap3A = arith.constant 0 : index
    %swap3A_10 = arith.constant 0 : index
    %swap3A_11 = vector.load %arg4[%swap3A, %swap3A_10] : memref<1024x128xf32, #tpu.memory_space<vmem>>, vector<1024x128xf32>
    tpu.vector_store %arg4[%swap3A, %swap3A_10], %mul3A_9 {strides = array<i32>} : memref<1024x128xf32, #tpu.memory_space<vmem>>, vector<1024x128xf32>,
    return
  }
  func.func @transform_0(%arg0: i32) -> (i32, i32) {
    %c0_i32 = arith.constant 0 : i32
    %c0_i32_0 = arith.constant 0 : i32
    return %arg0, %c0_i32 : i32, i32
  }
  func.func @transform_1(%arg0: i32) -> (i32, i32) {
    %c0_i32 = arith.constant 0 : i32
    %c0_i32_0 = arith.constant 0 : i32
    %c0_i32_1 = arith.constant 0 : i32
    return %c0_i32, %c0_i32_0 : i32, i32
  }
  func.func @transform_2(%arg0: i32) -> (i32, i32) {
    %c0_i32 = arith.constant 0 : i32
    %c0_i32_0 = arith.constant 0 : i32
    return %arg0, %c0_i32 : i32, i32
  }
  func.func @transform_3(%arg0: i32) -> (i32, i32) {
    %c0_i32 = arith.constant 0 : i32
    %c0_i32_0 = arith.constant 0 : i32
    return %arg0, %c0_i32 : i32, i32
  }
}

module attributes {stable_mosaic.version = 14 : i64} {
  func.func @_mid_body(%arg0: i32, %arg1: memref<2x1024x128xf32, #tpu.memory_space<vmem>>, %arg2: memref<1024x128xf32, #tpu.memory_space<vmem>>, %arg3: memref<1024x1xf32, #tpu.memory_space<vmem>>, %arg4: memref<1x128xf32, #tpu.memory_space<vmem>>, %arg5: memref<128x128xf32, #tpu.memory_space<vmem>>, %arg6: memref<1024x128xf32, #tpu.memory_space<vmem>>) attributes {dimension_semantics = [#tpu.dimension_semantics<arbitrary>], iteration_bounds = array<i64: 10>, scalar_prefetch = 0 : i64, scratch_operands = 0 : i64, tpu.core_type = #tpu.core_type<tc>, window_params = [{transform_indices = @transform_0, window_bounds = array<i64: 2, 1024, 128>}, {transform_indices = @transform_1, window_bounds = array<i64: 1024, 128>}, {transform_indices = @transform_2, window_bounds = array<i64: 1024, 1>}, {pipeline_mode = #tpu.pipeline_mode<synchronous>, transform_indices = @transform_3, window_bounds = array<i64: 1, 128>}, {pipeline_mode = #tpu.pipeline_mode<synchronous>, transform_indices = @transform_4, window_bounds = array<i64: 128, 128>}, {transform_indices = @transform_5, window_bounds = array<i64: 1024, 128>}]} {
    %get3A = arith.constant 0 : index
    %get3A_0 = arith.constant 0 : index
    %get3A_1 = arith.constant 0 : index
    %get3A_2 = vector.load %arg1[%get3A, %get3A_0, %get3A_1] : memref<2x1024x128xf32, #tpu.memory_space<vmem>>, vector<1x1024x128xf32>
    %get3A_3 = vector.shape_cast %get3A_2 : vector<1x1024x128xf32> to vector<1024x128xf32>
    %get3A_4 = arith.constant 1 : index
    %get3A_5 = arith.constant 0 : index
    %get3A_6 = arith.constant 0 : index
    %get3A_7 = vector.load %arg1[%get3A_4, %get3A_5, %get3A_6] : memref<2x1024x128xf32, #tpu.memory_space<vmem>>, vector<1x1024x128xf32>
    %get3A_8 = vector.shape_cast %get3A_7 : vector<1x1024x128xf32> to vector<1024x128xf32>
    %add3A = arith.addf %get3A_3, %get3A_8 : vector<1024x128xf32>
    %get3A_9 = arith.constant 0 : index
    %get3A_10 = arith.constant 0 : index
    %get3A_11 = vector.load %arg3[%get3A_9, %get3A_10] : memref<1024x1xf32, #tpu.memory_space<vmem>>, vector<1024x1xf32>
    %get3A_12 = arith.constant 0 : index
    %get3A_13 = arith.constant 0 : index
    %get3A_14 = vector.load %arg2[%get3A_12, %get3A_13] : memref<1024x128xf32, #tpu.memory_space<vmem>>, vector<1024x128xf32>
    %add3A_15 = arith.addf %add3A, %get3A_14 : vector<1024x128xf32>
    %mul3A = vector.broadcast %get3A_11 : vector<1024x1xf32> to vector<1024x128xf32>
    %mul3A_16 = arith.mulf %add3A_15, %mul3A : vector<1024x128xf32>
    %get3A_17 = arith.constant 0 : index
    %get3A_18 = arith.constant 0 : index
    %get3A_19 = vector.load %arg4[%get3A_17, %get3A_18] : memref<1x128xf32, #tpu.memory_space<vmem>>, vector<1x128xf32>
    %add3A_20 = vector.broadcast %get3A_19 : vector<1x128xf32> to vector<1024x128xf32>
    %add3A_21 = arith.addf %mul3A_16, %add3A_20 : vector<1024x128xf32>
    %max3A = arith.constant 0.000000e+00 : f32
    %max3A_22 = vector.broadcast %max3A : f32 to vector<1024x128xf32>
    %max3A_23 = arith.maximumf %add3A_21, %max3A_22 : vector<1024x128xf32>
    %get3A_24 = arith.constant 0 : index
    %get3A_25 = arith.constant 0 : index
    %get3A_26 = vector.load %arg5[%get3A_24, %get3A_25] : memref<128x128xf32, #tpu.memory_space<vmem>>, vector<128x128xf32>
    %dot_general3A = arith.constant dense<0.000000e+00> : vector<1024x128xf32>
    %dot_general3A_27 = tpu.matmul %max3A_23, %get3A_26, %dot_general3A {dimension_numbers = #tpu.dot_dimension_numbers<[1], [0], [0], [1], [0, 0, 1, 1], [], []>, transpose_lhs_hint = false} : vector<1024x128xf32>, vector<128x128xf32>, vector<1024x128xf32> -> vector<1024x128xf32>
    %mul3A_28 = vector.broadcast %get3A_11 : vector<1024x1xf32> to vector<1024x128xf32>
    %mul3A_29 = arith.mulf %dot_general3A_27, %mul3A_28 : vector<1024x128xf32>
    %swap3A = arith.constant 0 : index
    %swap3A_30 = arith.constant 0 : index
    %swap3A_31 = vector.load %arg6[%swap3A, %swap3A_30] : memref<1024x128xf32, #tpu.memory_space<vmem>>, vector<1024x128xf32>
    tpu.vector_store %arg6[%swap3A, %swap3A_30], %mul3A_29 {strides = array<i32>} : memref<1024x128xf32, #tpu.memory_space<vmem>>, vector<1024x128xf32>,
    return
  }
  func.func @transform_0(%arg0: i32) -> (i32, i32, i32) {
    %c0_i32 = arith.constant 0 : i32
    %c0_i32_0 = arith.constant 0 : i32
    %c0_i32_1 = arith.constant 0 : i32
    return %c0_i32, %arg0, %c0_i32_0 : i32, i32, i32
  }
  func.func @transform_1(%arg0: i32) -> (i32, i32) {
    %c0_i32 = arith.constant 0 : i32
    %c0_i32_0 = arith.constant 0 : i32
    return %arg0, %c0_i32 : i32, i32
  }
  func.func @transform_2(%arg0: i32) -> (i32, i32) {
    %c0_i32 = arith.constant 0 : i32
    %c0_i32_0 = arith.constant 0 : i32
    return %arg0, %c0_i32 : i32, i32
  }
  func.func @transform_3(%arg0: i32) -> (i32, i32) {
    %c0_i32 = arith.constant 0 : i32
    %c0_i32_0 = arith.constant 0 : i32
    %c0_i32_1 = arith.constant 0 : i32
    return %c0_i32, %c0_i32_0 : i32, i32
  }
  func.func @transform_4(%arg0: i32) -> (i32, i32) {
    %c0_i32 = arith.constant 0 : i32
    %c0_i32_0 = arith.constant 0 : i32
    %c0_i32_1 = arith.constant 0 : i32
    return %c0_i32, %c0_i32_0 : i32, i32
  }
  func.func @transform_5(%arg0: i32) -> (i32, i32) {
    %c0_i32 = arith.constant 0 : i32
    %c0_i32_0 = arith.constant 0 : i32
    return %arg0, %c0_i32 : i32, i32
  }
}

module attributes {stable_mosaic.version = 14 : i64} {
  func.func @_fin_body(%arg0: i32, %arg1: memref<2x1024x128xf32, #tpu.memory_space<vmem>>, %arg2: memref<1024x128xf32, #tpu.memory_space<vmem>>, %arg3: memref<1024x1xf32, #tpu.memory_space<vmem>>, %arg4: memref<1x128xf32, #tpu.memory_space<vmem>>, %arg5: memref<1024x128xf32, #tpu.memory_space<vmem>>) attributes {dimension_semantics = [#tpu.dimension_semantics<arbitrary>], iteration_bounds = array<i64: 10>, scalar_prefetch = 0 : i64, scratch_operands = 0 : i64, tpu.core_type = #tpu.core_type<tc>, window_params = [{transform_indices = @transform_0, window_bounds = array<i64: 2, 1024, 128>}, {transform_indices = @transform_1, window_bounds = array<i64: 1024, 128>}, {transform_indices = @transform_2, window_bounds = array<i64: 1024, 1>}, {pipeline_mode = #tpu.pipeline_mode<synchronous>, transform_indices = @transform_3, window_bounds = array<i64: 1, 128>}, {transform_indices = @transform_4, window_bounds = array<i64: 1024, 128>}]} {
    %get3A = arith.constant 0 : index
    %get3A_0 = arith.constant 0 : index
    %get3A_1 = arith.constant 0 : index
    %get3A_2 = vector.load %arg1[%get3A, %get3A_0, %get3A_1] : memref<2x1024x128xf32, #tpu.memory_space<vmem>>, vector<1x1024x128xf32>
    %get3A_3 = vector.shape_cast %get3A_2 : vector<1x1024x128xf32> to vector<1024x128xf32>
    %get3A_4 = arith.constant 1 : index
    %get3A_5 = arith.constant 0 : index
    %get3A_6 = arith.constant 0 : index
    %get3A_7 = vector.load %arg1[%get3A_4, %get3A_5, %get3A_6] : memref<2x1024x128xf32, #tpu.memory_space<vmem>>, vector<1x1024x128xf32>
    %get3A_8 = vector.shape_cast %get3A_7 : vector<1x1024x128xf32> to vector<1024x128xf32>
    %add3A = arith.addf %get3A_3, %get3A_8 : vector<1024x128xf32>
    %get3A_9 = arith.constant 0 : index
    %get3A_10 = arith.constant 0 : index
    %get3A_11 = vector.load %arg2[%get3A_9, %get3A_10] : memref<1024x128xf32, #tpu.memory_space<vmem>>, vector<1024x128xf32>
    %add3A_12 = arith.addf %add3A, %get3A_11 : vector<1024x128xf32>
    %get3A_13 = arith.constant 0 : index
    %get3A_14 = arith.constant 0 : index
    %get3A_15 = vector.load %arg3[%get3A_13, %get3A_14] : memref<1024x1xf32, #tpu.memory_space<vmem>>, vector<1024x1xf32>
    %mul3A = vector.broadcast %get3A_15 : vector<1024x1xf32> to vector<1024x128xf32>
    %mul3A_16 = arith.mulf %add3A_12, %mul3A : vector<1024x128xf32>
    %get3A_17 = arith.constant 0 : index
    %get3A_18 = arith.constant 0 : index
    %get3A_19 = vector.load %arg4[%get3A_17, %get3A_18] : memref<1x128xf32, #tpu.memory_space<vmem>>, vector<1x128xf32>
    %add3A_20 = vector.broadcast %get3A_19 : vector<1x128xf32> to vector<1024x128xf32>
    %add3A_21 = arith.addf %mul3A_16, %add3A_20 : vector<1024x128xf32>
    %swap3A = arith.constant 0 : index
    %swap3A_22 = arith.constant 0 : index
    %swap3A_23 = vector.load %arg5[%swap3A, %swap3A_22] : memref<1024x128xf32, #tpu.memory_space<vmem>>, vector<1024x128xf32>
    tpu.vector_store %arg5[%swap3A, %swap3A_22], %add3A_21 {strides = array<i32>} : memref<1024x128xf32, #tpu.memory_space<vmem>>, vector<1024x128xf32>,
    return
  }
  func.func @transform_0(%arg0: i32) -> (i32, i32, i32) {
    %c0_i32 = arith.constant 0 : i32
    %c0_i32_0 = arith.constant 0 : i32
    %c0_i32_1 = arith.constant 0 : i32
    return %c0_i32, %arg0, %c0_i32_0 : i32, i32, i32
  }
  func.func @transform_1(%arg0: i32) -> (i32, i32) {
    %c0_i32 = arith.constant 0 : i32
    %c0_i32_0 = arith.constant 0 : i32
    return %arg0, %c0_i32 : i32, i32
  }
  func.func @transform_2(%arg0: i32) -> (i32, i32) {
    %c0_i32 = arith.constant 0 : i32
    %c0_i32_0 = arith.constant 0 : i32
    return %arg0, %c0_i32 : i32, i32
  }
  func.func @transform_3(%arg0: i32) -> (i32, i32) {
    %c0_i32 = arith.constant 0 : i32
    %c0_i32_0 = arith.constant 0 : i32
    %c0_i32_1 = arith.constant 0 : i32
    return %c0_i32, %c0_i32_0 : i32, i32
  }
  func.func @transform_4(%arg0: i32) -> (i32, i32) {
    %c0_i32 = arith.constant 0 : i32
    %c0_i32_0 = arith.constant 0 : i32
    return %arg0, %c0_i32 : i32, i32
  }
}

</mosaic_0001>

<sc_bundles>
// kernel: kernel.12.cloned.1.call-start
scs
__scs_entry_jumppad:
0x0: {  	(pc) =	sbr.rel $0x88, $3  }
0x1: {  	(tag) =	ssettag $0x0;
	lr =	simm.s32 $0x1  }
0x2: {  	[smem:$0x3F9B] =	sst lr;
	_ =	strace $0xD0000000  }
0x3: {  	_ = 	snop  }
0x4: {  	_ = 	snop  }
0x5: {  	_ = 	snop  }
0x6: {  	_ = 	snop  }
0x7: {  	_ = 	snop  }
__scs_overlays_trampoline_lowered:
0x8: {  	[smem:$0x3FAA] =	sst s0  }
0x9: {  	[smem:$0x3FAB] =	sst s1  }
0xa: {  	[smem:$0x3FAC] =	sst s2  }
0xb: {  	[smem:$0x3FAD] =	sst s3  }
0xc: {  	[smem:$0x3FAE] =	sst s4  }
0xd: {  	[smem:$0x3FAF] =	sst s5  }
0xe: {  	[smem:$0x3FB0] =	sst s6  }
0xf: {  	[smem:$0x3FB1] =	sst s7  }
0x10: {  	[smem:$0x3FB2] =	sst s8  }
0x11: {  	[smem:$0x3FB3] =	sst s9;
	s0 =	simm.s32 @!p0 $0x0  }
0x12: {  	s1 =	sld [smem:$0x3F99];
	s0 =	simm.s32 @p0 $0x1  }
0x13: {  	[smem:$0x3FB4] =	sst s0;
	s0 =	simm.s32 @!p1 $0x0  }
0x14: {  	s2 =	sld [smem:$0x3F98];
	s0 =	simm.s32 @p1 $0x1  }
0x15: {  	[smem:$0x3FB5] =	sst s0;
	s0 =	simm.s32 @!p2 $0x0  }
0x16: {  	s3 =	sld [smem:$0x3FDB];
	s0 =	simm.s32 @p2 $0x1  }
0x17: {  	s4 =	simm.s32 $0x1BF5;
	[smem:$0x3FB7] =	sst s0  }
0x18: {  	s0 =	sld [smem:$0x3F9A];
	_ =	swait.ge [sflag:s4], $0x0  }
0x19: {  	s7 =	sld [smem:$0x3F9B]  }
0x1a: {  	s8 =	sadd.s32 $0xFFFFE003, lr  }
0x1b: {  	s9 =	sadd.s32 $0xFFFFFEF7, lr;
	s5 =	simm.s32 $0xFFFFFFFF;
	p2 =	slt.u32 s8, $0xFFFFF086  }
0x1c: {  	p1 =	slt.u32 s9, $0xF7A;
	s5 =	simm.s32 @!p2 $0x0  }
0x1d: {  	s5 =	simm.s32 @p1 $0x1;
	p0 =	seq.s32 s7, s2  }
0x1e: {  	s7 =	smul.u32 @!p0 $0xF7A, s2;
	p2 =	seq.s32 @!p0 s5, $0x0  }
0x1f: {  	s9 =	smul.u32 $0xF7A, s1;
	s8 =	simm.s32 @!p0 $0x1BF5;
	p2 =	por !p2, p0  }
0x20: {  	[sflag:s8] =	ssyncset.s32 @!p0 $0xFFFFF086;
	s6 =	sadd.s32 @!p0 s3, s7;
	s7 =	simm.s32 @!p0 $0x108  }
0x21: {  	s3 =	sadd.s32 s3, s9;
	s6 =	sadd.s32 @!p0 $0x88, s6;
	s7 =	simm.s32 @p2 $0x1082  }
0x22: {  	[simem:s7], [sflag:s8] =	dma.local @!p0 [hbm:s6], $0xF7A  }
0x23: {  	s9 =	sor.u32 $0xD0000000, s2;
	s6 =	simm.s32 $0x108;
	_ =	swait.ge @!p0 [sflag:s8], $0x0  }
0x24: {  	s3 =	sadd.s32 $0x88, s3;
	s6 =	simm.s32 @!p1 $0x1082;
	[sflag:s4] =	ssyncset.s32 $0xFFFFF086  }
0x25: {  	[simem:s6], [sflag:s4] =	dma.local [hbm:s3], $0xF7A  }
0x26: {  	[smem:$0x3F9B] =	sst s1;
	(tag) =	ssettag s2;
	_ =	strace s9  }
0x27: {  	s1 =	sld [smem:$0x3FAB]  }
0x28: {  	s2 =	sld [smem:$0x3FAC]  }
0x29: {  	s4 =	sld [smem:$0x3FAE]  }
0x2a: {  	p0 =	seq.s32 s5, $0x0;
	s5 =	sld [smem:$0x3FAF]  }
0x2b: {  	s6 =	sld [smem:$0x3FB0]  }
0x2c: {  	s7 =	sld [smem:$0x3FB1]  }
0x2d: {  	s3 =	simm.s32 $0x108;
	s8 =	sld [smem:$0x3FB2]  }
0x2e: {  	s3 =	simm.s32 @!p0 $0x1082;
	s9 =	sld [smem:$0x3FB3]  }
0x2f: {  	lr =	sadd.s32 s0, s3;
	s0 =	sld [smem:$0x3FAA]  }
0x30: {  	s3 =	sld [smem:$0x3FAD]  }
0x31: {  	[smem:$0x3FB6] =	sst s10  }
0x32: {  	s10 =	sld [smem:$0x3FB4];
	_ =	sdelay $0x3  }
0x33: {  	p0 =	seq.s32 s10, $0x1;
	s10 =	sld [smem:$0x3FB6];
	_ =	sdelay $0x3  }
0x34: {  	[smem:$0x3FB6] =	sst s10  }
0x35: {  	s10 =	sld [smem:$0x3FB5];
	_ =	sdelay $0x3  }
0x36: {  	p1 =	seq.s32 s10, $0x1;
	s10 =	sld [smem:$0x3FB6];
	_ =	sdelay $0x3  }
0x37: {  	[smem:$0x3FB6] =	sst s10  }
0x38: {  	s10 =	sld [smem:$0x3FB7]  }
0x39: {  	_ = 	snop;
	(pc) =	sbr.ind lr, $3  }
0x3a: {  	_ = 	snop  }
0x3b: {  	_ = 	snop  }
0x3c: {  	p2 =	seq.s32 s10, $0x1;
	s10 =	sld [smem:$0x3FB6]  }
0x3d: {  	_ =	shalt  }
0x3e: {  	_ =	shalt  }
0x3f: {  	_ =	shalt  }
0x40: {  	_ =	shalt  }
0x41: {  	_ =	shalt  }
0x42: {  	_ =	shalt  }
0x43: {  	_ =	shalt  }
0x44: {  	_ =	shalt  }
0x45: {  	_ =	shalt  }
0x46: {  	_ =	shalt  }
0x47: {  	_ =	shalt  }
0x48: {  	_ =	shalt  }
0x49: {  	_ =	shalt  }
0x4a: {  	_ =	shalt  }
0x4b: {  	_ =	shalt  }
0x4c: {  	_ =	shalt  }
0x4d: {  	_ =	shalt  }
0x4e: {  	_ =	shalt  }
0x4f: {  	_ =	shalt  }
0x50: {  	_ =	shalt  }
0x51: {  	_ =	shalt  }
0x52: {  	_ =	shalt  }
0x53: {  	_ =	shalt  }
0x54: {  	_ =	shalt  }
0x55: {  	_ =	shalt  }
0x56: {  	_ =	shalt  }
0x57: {  	_ =	shalt  }
0x58: {  	_ =	shalt  }
0x59: {  	_ =	shalt  }
0x5a: {  	_ =	shalt  }
0x5b: {  	_ =	shalt  }
0x5c: {  	_ =	shalt  }
0x5d: {  	_ =	shalt  }
0x5e: {  	_ =	shalt  }
0x5f: {  	_ =	shalt  }
0x60: {  	_ =	shalt  }
0x61: {  	_ =	shalt  }
0x62: {  	_ =	shalt  }
0x63: {  	_ =	shalt  }
0x64: {  	_ =	shalt  }
0x65: {  	_ =	shalt  }
0x66: {  	_ =	shalt  }
0x67: {  	_ =	shalt  }
0x68: {  	_ =	shalt  }
0x69: {  	_ =	shalt  }
0x6a: {  	_ =	shalt  }
0x6b: {  	_ =	shalt  }
0x6c: {  	_ =	shalt  }
0x6d: {  	_ =	shalt  }
0x6e: {  	_ =	shalt  }
0x6f: {  	_ =	shalt  }
0x70: {  	_ =	shalt  }
0x71: {  	_ =	shalt  }
0x72: {  	_ =	shalt  }
0x73: {  	_ =	shalt  }
0x74: {  	_ =	shalt  }
0x75: {  	_ =	shalt  }
0x76: {  	_ =	shalt  }
0x77: {  	_ =	shalt  }
0x78: {  	_ =	shalt  }
0x79: {  	_ =	shalt  }
0x7a: {  	_ =	shalt  }
0x7b: {  	_ =	shalt  }
0x7c: {  	_ =	shalt  }
0x7d: {  	_ =	shalt  }
0x7e: {  	_ =	shalt  }
0x7f: {  	_ =	shalt  }
0x80: {  	_ =	shalt  }
0x81: {  	_ =	shalt  }
0x82: {  	_ =	shalt  }
0x83: {  	_ =	shalt  }
0x84: {  	_ =	shalt  }
0x85: {  	_ =	shalt  }
0x86: {  	_ =	shalt  }
0x87: {  	_ =	shalt  }
.Lfunc_end0:
.L_simem_size_0:
called_computation.1_lowered:
.L_overlay_start_0:
0x88: {  	s2 =	sld [smem:$0x3FD9]  }
0x89: {  	s3 =	sld [smem:$0x3FFE];
	_ =	sdelay $0x1  }
0x8a: {  	s1 =	srdreg.scid  }
0x8b: {  	s0 =	sand.u32 $0x1, s1  }
0x8c: {  	s17 =	sshll.u32 s0, $0xA;
	s2 =	sadd.s32 s3, s2  }
0x8d: {  	s2 =	sadd.s32 s2, s17  }
0x8e: {  	[smem:$0x3FC2] =	sst s2  }
0x8f: {  	_ = 	snop  }
0x90: {  	s2 =	sld [smem:$0x3FD0];
	(tm) =	ssettm $0x1  }
0x91: {  	s18 =	sld [smem:$0x3FFB];
	_ =	sdelay $0x3  }
0x92: {  	_ =	strace s18  }
0x93: {  	s3 =	sld [smem:$0x3FFC];
	_ =	sdelay $0x3  }
0x94: {  	_ =	strace s3  }
0x95: {  	s3 =	sld [smem:$0x3FFD];
	_ =	sdelay $0x3  }
0x96: {  	_ =	strace s3  }
0x97: {  	_ =	strace $0x8FFFFFFF  }
0x98: {  	s19 =	sld [smem:$0x3FDB];
	_ =	sdelay $0x1  }
0x99: {  	s4 =	simm.s32 $_scs_section_size  }
0x9a: {  	s5 =	simm.s32 $_size__tile_overlayer_lowered;
	s6 =	simm.s32 $_tile_overlayer_lowered  }
0x9b: {  	s22 =	simm.s32 $0x1BFF;
	s21 =	sshll.u32 s6, $0x1;
	s3 =	sadd.s32 s4, s19  }
0x9c: {  	s7 =	simm.s32 $0x0;
	s20 =	sshll.u32 s5, $0x1;
	s5 =	sadd.s32 s21, s3  }
0x9d: {  	[timem:s7], [sflag:s22] =	dma.local [hbm:s5], s20  }
0x9e: {  	_ =	swait.ge [sflag:s22], s20  }
0x9f: {  	s4 =	ssub.s32 $0x0, s20;
	[sflag:s22] =	ssyncset.done $0x0  }
0xa0: {  	[sflag:s22] =	ssyncadd.s32 s4;
	_ =	sdelay $0x1  }
0xa1: {  	s23 =	simm.s32 $0x1B8B  }
0xa2: {  	_ =	swait.ge [sflag:s23], $0x1  }
0xa3: {  	[sflag:s23] =	ssyncset.done $0x0  }
0xa4: {  	s25 =	simm.s32 $0x1B8E;
	s24 =	sld [smem:$0x3FFE];
	[sflag:s23] =	ssyncadd.s32 $0xFFFFFFFF  }
0xa5: {  	s26 =	simm.s32 $execute0_lowered;
	[smem:$0x3FD2] =	sst s25  }
0xa6: {  	s5 =	sshll.u32 s26, $0x1;
	_ =	strace $0x80000049;
	[dreg:$0x1] =	wrdreg $0xFFFFFFFF  }
0xa7: {  	s28 =	simm.s32 $_size_execute0_lowered;
	s3 =	sadd.s32 s3, s5;
	[dreg:$0x0] =	wrdreg $0x0  }
0xa8: {  	s5 =	sshll.u32 s28, $0x1;
	[dreg:$0x2] =	wrdreg s3  }
0xa9: {  	[dreg:$0x3] =	wrdreg s5  }
0xaa: {  	[dreg:$0x4] =	wrdreg $0xC0  }
0xab: {  	_ =	task [dreg:s7], $0x5FFFF  }
0xac: {  	[dreg:$0x1] =	wrdreg $0xFFFFFFFF  }
0xad: {  	[dreg:$0x0] =	wrdreg $0x60  }
0xae: {  	[dreg:$0x2] =	wrdreg s24  }
0xaf: {  	[dreg:$0x3] =	wrdreg s2  }
0xb0: {  	[dreg:$0x4] =	wrdreg $0xA0000  }
0xb1: {  	[dreg:$0x5] =	wrdreg $0x9  }
0xb2: {  	_ =	task.clear_ibuf [dreg:s7], $0x6FFFF;
	_ =	strace $0x90000049  }
0xb3: {  	s29 =	simm.s32 $0x9;
	_ =	strace $0x8000004B  }
0xb4: {  	_ =	swait.ge [sflag:s29], $0x1  }
0xb5: {  	[sflag:s29] =	ssyncadd.s32 $0xFFFFFFFF  }
0xb6: {  	_ =	strace $0x9000004B  }
0xb7: {  	_ =	sfence  }
0xb8: {  	s30 =	sld [smem:$0x0];
	_ =	sdelay $0x2  }
0xb9: {  	s31 =	sshll.u32 s1, $0xD;
	s1 =	sshrl.u32 s1, $0x2  }
0xba: {  	s3 =	sand.u32 $0x4000, s31;
	s1 =	sadd.s32 s1, s30  }
0xbb: {  	s0 =	sor.u32 s3, s0;
	s1 =	sshll.u32 s1, $0x11  }
0xbc: {  	s0 =	sor.u32 s1, s0  }
0xbd: {  	s0 =	sadd.s32 $0x8F2B, s0  }
0xbe: {  	[sflag:s0] =	ssyncadd.remote.s32 $0x1  }
0xbf: {  	_ =	sfence.sel $0xFFFF  }
0xc0: {  	[dreg:$0x0] =	wrdreg $0xFFFFFFFF;
	(pc) =	sbr.abs _section_cstart, $3  }
0xc1: {  	[dreg:$0x1] =	wrdreg $0xFFFFFFFF  }
0xc2: {  	_ =	task.clear_ibuf [dreg:s7], $0x2FFFF;
	_ =	strace $0x9FFFFFFF  }
0xc3: {  	(tm) =	ssettm $0x7FFFFFFF  }
tec
execute0_lowered:
.L_overlay_start_1:
0x0: {  	(tag) =	ssettag $0x1  }
0x1: {  	s5 =	rddreg [dreg:$0x0]  }
0x2: {  	s1 =	srdreg.scid;
	s6 =	rddreg [dreg:$0x1]  }
0x3: {  	s0 =	stileid.u32;
	s2 =	rddreg [dreg:$0x2];
	s3 =	simm.s32 $0x0  }
0x4: {  	s14 =	simm.s32 $0x3;
	s15 =	simm.s32 $0x50;
	s16 =	simm.s32 $0x5000  }
0x5: {  	s17 =	simm.s32 $0x7800;
	s18 =	simm.s32 $0x1;
	s19 =	simm.s32 $0x2  }
0x6: {  	s20 =	simm.s32 $0x27B0;
	s21 =	simm.s32 $0x4F60;
	s22 =	simm.s32 $0x4FB0  }
0x7: {  	s23 =	simm.s32 $0x0;
	s7 =	sand.u32 $0x1, s1;
	s1 =	rddreg [dreg:$0x3]  }
0x8: {  	s28 =	sshll.u32 s0, $0x1;
	[smem:$0x7FF] =	sst s3;
	s9 =	smul.u32 $0x14000, s0  }
0x9: {  	s13 =	smul.u32 $0x50000, s0;
	s31 =	sshll.u32 s0, $0x6;
	s4 =	sor.u32 s7, s28  }
0xa: {  	_ =	strace $0x8000004A;
	s10 =	smul.u32 $0x140000, s7;
	s7 =	ssub.s32 $0x2, s7  }
0xb: {  	s8 =	smul.u32 $0x500, s4;
	s4 =	sadd.s32 $0xC600, s5;
	s12 =	sshrl.u32 s9, $0x3  }
0xc: {  	s29 =	sshrl.u32 s7, $0x1;
	s30 =	sshrl.u32 s13, $0x2;
	s12 =	sadd.s32 s12, s5  }
0xd: {  	s9 =	sadd.s32 s9, s10;
	s10 =	ssub.s32 s7, s29;
	s13 =	sadd.s32 s30, s2  }
0xe: {  	s11 =	sadd.s32 s8, s5;
	s9 =	sshrl.u32 s9, $0x3;
	s6 =	sadd.s32 s6, s8  }
0xf: {  	s7 =	sadd.s32 $0x34600, s12;
	s8 =	sor.u32 $0x1C04, s31;
	s10 =	smax.u32 s10, $0x1  }
0x10: {  	s12 =	sshrl.u32 s13, $0x3;
	s13 =	simm.s32 $0x4;
	s9 =	sadd.s32 s9, s5  }
0x11: {  	s5 =	sadd.s32 $0x2600, s11;
	s11 =	simm.s32 $0x2800;
	s9 =	sadd.s32 $0x5C600, s9  }
.LBB2_1:
0x12: {  	[tilespmem:s3], [sflag:$0x3] =	stream.linear.gather [hbm4b:s5+s3], $0x2800, $0x38;
	[tilespmem:$0x1E000] =	vst v63  }
0x13: {  	_ = 	snop  }
0x14: {  	[tilespmem:s11], [sflag:$0x3] =	stream.linear.gather [hbm4b:s6+s3], $0x2800, $0x38;
	[tilespmem:$0x1E000] =	vst v63  }
0x15: {  	[spmem:s12], [sflag:s8] =	dma.local [hbm:s7], $0x2800  }
0x16: {  	_ =	swait.ge [sflag:s13], $0x2800  }
0x17: {  	[sflag:s13] =	ssyncset.done $0x0  }
0x18: {  	[sflag:s13] =	ssyncadd.s32 $0xFFFFD800  }
0x19: {  	_ =	swait.ge [sflag:s14], $0x2800  }
0x1a: {  	[sflag:s14] =	ssyncset.done $0x0  }
0x1b: {  	[sflag:s14] =	ssyncadd.s32 $0xFFFFD800  }
0x1c: {  	_ =	swait.ge [sflag:s14], $0x2800  }
0x1d: {  	[sflag:s14] =	ssyncset.done $0x0  }
0x1e: {  	[sflag:s14] =	ssyncadd.s32 $0xFFFFD800  }
0x1f: {  	[bflag:$0x0] =	sbarrier.arrive $0xFFFF  }
0x20: {  	[tilespmem:s16], [sflag:$0x1] =	stream.indirect.gather [hbm4b:s4+s15], $0x80, s3, s15, $0xb8;
	[tilespmem:$0x1E000] =	vst v63  }
0x21: {  	s24 =	simm.s32 $0x50  }
0x22: {  	[tilespmem:s17], [sflag:$0x2] =	stream.indirect.gather [hbm4b:s4+s15], $0x80, s24, s15, $0xb8;
	[tilespmem:$0x1E000] =	vst v63  }
0x23: {  	_ =	swait.ge [sflag:s18], $0x2800  }
0x24: {  	[sflag:s18] =	ssyncset.done $0x0  }
0x25: {  	s29 =	simm.s32 $0x2800;
	[sflag:s18] =	ssyncadd.s32 $0xFFFFD800  }
0x26: {  	[spmem:s2] =	stream.indirect.scatter.add.f32 [tilespmem:s16], [sflag:$0x4], $0x80, s29, s15, $0xb8;
	[tilespmem:$0x1E000] =	vst v63  }
0x27: {  	_ =	swait.ge [sflag:s13], $0x2800  }
0x28: {  	[sflag:s13] =	ssyncset.done $0x0  }
0x29: {  	s30 =	simm.s32 $0xA0;
	[sflag:s13] =	ssyncadd.s32 $0xFFFFD800  }
0x2a: {  	[tilespmem:s16], [sflag:$0x1] =	stream.indirect.gather [hbm4b:s4+s15], $0x80, s30, s15, $0xb8;
	[tilespmem:$0x1E000] =	vst v63  }
0x2b: {  	_ =	swait.ge [sflag:s19], $0x2800  }
0x2c: {  	[sflag:s19] =	ssyncset.done $0x0  }
0x2d: {  	s31 =	simm.s32 $0x2850;
	[sflag:s19] =	ssyncadd.s32 $0xFFFFD800  }
0x2e: {  	[spmem:s2] =	stream.indirect.scatter.add.f32 [tilespmem:s17], [sflag:$0x4], $0x80, s31, s15, $0xb8;
	[tilespmem:$0x1E000] =	vst v63  }
0x2f: {  	_ =	swait.ge [sflag:s13], $0x2800  }
0x30: {  	s25 =	simm.s32 $0x500;
	s24 =	simm.s32 $0xA0;
	[sflag:s13] =	ssyncset.done $0x0  }
.LBB2_2:
0x31: {  	s26 =	sadd.s32 $0x50, s24  }
0x32: {  	[sflag:s13] =	ssyncadd.s32 $0xFFFFD800;
	s28 =	smov.u32 s25;
	s29 =	sadd.s32 $0x280, s25  }
0x33: {  	[tilespmem:s17], [sflag:$0x2] =	stream.indirect.gather [hbm4b:s4+s15], $0x80, s26, s15, $0xb8;
	[tilespmem:$0x1E000] =	vst v63  }
0x34: {  	p0 =	sne.s32 s25, $0x9B00;
	_ =	swait.ge [sflag:s18], $0x2800  }
0x35: {  	[sflag:s18] =	ssyncset.done $0x0  }
0x36: {  	s25 =	sadd.s32 $0x2800, s24;
	[sflag:s18] =	ssyncadd.s32 $0xFFFFD800  }
0x37: {  	[spmem:s2] =	stream.indirect.scatter.add.f32 [tilespmem:s16], [sflag:$0x4], $0x80, s25, s15, $0xb8;
	[tilespmem:$0x1E000] =	vst v63  }
0x38: {  	_ =	swait.ge [sflag:s13], $0x2800  }
0x39: {  	[sflag:s13] =	ssyncset.done $0x0  }
0x3a: {  	s25 =	sadd.s32 $0xA0, s24;
	[sflag:s13] =	ssyncadd.s32 $0xFFFFD800  }
0x3b: {  	[tilespmem:s16], [sflag:$0x1] =	stream.indirect.gather [hbm4b:s4+s15], $0x80, s25, s15, $0xb8;
	[tilespmem:$0x1E000] =	vst v63  }
0x3c: {  	_ =	swait.ge [sflag:s19], $0x2800  }
.Ltmp0:
0x3d: {  	[sflag:s19] =	ssyncset.done $0x0;
	(pc) =	sbr.rel @p0 .LBB2_2-.Ltmp0, $4  }
0x3e: {  	s24 =	sadd.s32 $0x2850, s24;
	[sflag:s19] =	ssyncadd.s32 $0xFFFFD800  }
0x3f: {  	[spmem:s2] =	stream.indirect.scatter.add.f32 [tilespmem:s17], [sflag:$0x4], $0x80, s24, s15, $0xb8;
	[tilespmem:$0x1E000] =	vst v63  }
0x40: {  	_ =	swait.ge [sflag:s13], $0x2800  }
0x41: {  	s25 =	smov.u32 s29;
	s24 =	sshra.s32 s28, $0x2;
	[sflag:s13] =	ssyncset.done $0x0  }
0x42: {  	s25 =	sadd.s32 $0x50, s24;
	[sflag:s13] =	ssyncadd.s32 $0xFFFFD800  }
0x43: {  	[tilespmem:s17], [sflag:$0x2] =	stream.indirect.gather [hbm4b:s4+s15], $0x80, s25, s15, $0xb8;
	[tilespmem:$0x1E000] =	vst v63  }
0x44: {  	_ =	swait.ge [sflag:s18], $0x2800  }
0x45: {  	[sflag:s18] =	ssyncset.done $0x0  }
0x46: {  	s29 =	sadd.s32 $0x2800, s24;
	[sflag:s18] =	ssyncadd.s32 $0xFFFFD800  }
0x47: {  	[spmem:s2] =	stream.indirect.scatter.add.f32 [tilespmem:s16], [sflag:$0x4], $0x80, s29, s15, $0xb8;
	[tilespmem:$0x1E000] =	vst v63  }
0x48: {  	_ =	swait.ge [sflag:s13], $0x2800  }
0x49: {  	[sflag:s13] =	ssyncset.done $0x0  }
0x4a: {  	s30 =	sadd.s32 $0xA0, s24;
	[sflag:s13] =	ssyncadd.s32 $0xFFFFD800  }
0x4b: {  	[tilespmem:s16], [sflag:$0x1] =	stream.indirect.gather [hbm4b:s4+s15], $0x80, s30, s15, $0xb8;
	[tilespmem:$0x1E000] =	vst v63  }
0x4c: {  	_ =	swait.ge [sflag:s19], $0x2800  }
0x4d: {  	[sflag:s19] =	ssyncset.done $0x0  }
0x4e: {  	s31 =	sadd.s32 $0x2850, s24;
	[sflag:s19] =	ssyncadd.s32 $0xFFFFD800  }
0x4f: {  	[spmem:s2] =	stream.indirect.scatter.add.f32 [tilespmem:s17], [sflag:$0x4], $0x80, s31, s15, $0xb8;
	[tilespmem:$0x1E000] =	vst v63  }
0x50: {  	_ =	swait.ge [sflag:s13], $0x2800  }
0x51: {  	[sflag:s13] =	ssyncset.done $0x0  }
0x52: {  	[sflag:s13] =	ssyncadd.s32 $0xFFFFD800  }
0x53: {  	[tilespmem:s17], [sflag:$0x2] =	stream.indirect.gather [hbm4b:s4+s15], $0x80, s20, s15, $0xb8;
	[tilespmem:$0x1E000] =	vst v63  }
0x54: {  	_ =	swait.ge [sflag:s18], $0x2800  }
0x55: {  	[sflag:s18] =	ssyncset.done $0x0  }
0x56: {  	[sflag:s18] =	ssyncadd.s32 $0xFFFFD800  }
0x57: {  	[spmem:s2] =	stream.indirect.scatter.add.f32 [tilespmem:s16], [sflag:$0x4], $0x80, s21, s15, $0xb8;
	[tilespmem:$0x1E000] =	vst v63  }
0x58: {  	_ =	swait.ge [sflag:s13], $0x2800  }
0x59: {  	[sflag:s13] =	ssyncset.done $0x0  }
0x5a: {  	[sflag:s13] =	ssyncadd.s32 $0xFFFFD800  }
0x5b: {  	_ =	swait.ge [sflag:s19], $0x2800  }
0x5c: {  	[sflag:s19] =	ssyncset.done $0x0  }
0x5d: {  	[sflag:s19] =	ssyncadd.s32 $0xFFFFD800  }
0x5e: {  	[spmem:s2] =	stream.indirect.scatter.add.f32 [tilespmem:s17], [sflag:$0x4], $0x80, s22, s15, $0xb8;
	[tilespmem:$0x1E000] =	vst v63  }
0x5f: {  	_ =	swait.ge [sflag:s13], $0x2800  }
0x60: {  	s23 =	sadd.s32 $0x1, s23;
	[sflag:s13] =	ssyncset.done $0x0  }
0x61: {  	p0 =	sne.s32 s23, s10;
	[sflag:s13] =	ssyncadd.s32 $0xFFFFD800  }
.Ltmp1:
0x62: {  	[bflag:$0x0] =	sbarrier.arrive $0xFFFF;
	(pc) =	sbr.rel @p0 .LBB2_1-.Ltmp1, $4  }
0x63: {  	[hbm:s9], [sflag:s8] =	dma.local [spmem:s12], $0x2800  }
0x64: {  	_ =	swait.ge [sflag:s13], $0x2800  }
0x65: {  	[sflag:s13] =	ssyncset.done $0x0  }
0x66: {  	[sflag:s13] =	ssyncadd.s32 $0xFFFFD800  }
0x67: {  	_ =	sfence.sel $0x180000  }
0x68: {  	[bflag:$0x0] =	sbarrier.arrive $0xFFFF  }
0x69: {  	p0 =	sne.s32 s0, $0x0;
	_ =	strace $0x9000004A  }
0x6a: {  	s0 =	sadd.s32 @!p0 $0x100000, s1;
	[bflag:$0x2] =	sbarrier.arrive $0xFFFF  }
0x6b: {  	[sflag:s0] =	ssyncadd.tile.s32 @!p0 $0x1;
	_ =	shalt  }
.Lfunc_end2:
_tile_overlayer_lowered:
.L_overlay_start_2:
0x6c: {  	(tag) =	ssettag $0x2  }
0x6d: {  	s0 =	rddreg [dreg:$0x0];
	s2 =	stileid.u32  }
0x6e: {  	s1 =	rddreg [dreg:$0x1];
	p0 =	sne.s32 s2, $0x0  }
0x6f: {  	s3 =	rddreg [dreg:$0x2];
	[bflag:$0x3] =	sbarrier.arrive $0xFFFF;
	s2 =	simm.s32 @!p0 $0x1C04  }
0x70: {  	[timem:s3], [sflag:s2] =	dma.local @!p0 [hbm:s0], s1  }
0x71: {  	s0 =	simm.s32 @!p0 $0x4  }
0x72: {  	_ =	swait.ge @!p0 [sflag:s0], s1  }
0x73: {  	s1 =	ssub.s32 @!p0 $0x0, s1;
	[sflag:s0] =	ssyncset.done @!p0 $0x0  }
0x74: {  	[sflag:s0] =	ssyncadd.s32 @!p0 s1  }
0x75: {  	[bflag:$0x3] =	sbarrier.arrive $0xFFFF  }
0x76: {  	_ =	shalt  }

// kernel: kernel.15.cloned.1.call-start
scs
__scs_entry_jumppad:
0x0: {  	(pc) =	sbr.rel $0x88, $3  }
0x1: {  	(tag) =	ssettag $0x0;
	lr =	simm.s32 $0x1  }
0x2: {  	[smem:$0x3F9B] =	sst lr;
	_ =	strace $0xD0000000  }
0x3: {  	_ = 	snop  }
0x4: {  	_ = 	snop  }
0x5: {  	_ = 	snop  }
0x6: {  	_ = 	snop  }
0x7: {  	_ = 	snop  }
__scs_overlays_trampoline_lowered:
0x8: {  	[smem:$0x3FAA] =	sst s0  }
0x9: {  	[smem:$0x3FAB] =	sst s1  }
0xa: {  	[smem:$0x3FAC] =	sst s2  }
0xb: {  	[smem:$0x3FAD] =	sst s3  }
0xc: {  	[smem:$0x3FAE] =	sst s4  }
0xd: {  	[smem:$0x3FAF] =	sst s5  }
0xe: {  	[smem:$0x3FB0] =	sst s6  }
0xf: {  	[smem:$0x3FB1] =	sst s7  }
0x10: {  	[smem:$0x3FB2] =	sst s8  }
0x11: {  	[smem:$0x3FB3] =	sst s9;
	s0 =	simm.s32 @!p0 $0x0  }
0x12: {  	s1 =	sld [smem:$0x3F99];
	s0 =	simm.s32 @p0 $0x1  }
0x13: {  	[smem:$0x3FB4] =	sst s0;
	s0 =	simm.s32 @!p1 $0x0  }
0x14: {  	s2 =	sld [smem:$0x3F98];
	s0 =	simm.s32 @p1 $0x1  }
0x15: {  	[smem:$0x3FB5] =	sst s0;
	s0 =	simm.s32 @!p2 $0x0  }
0x16: {  	s3 =	sld [smem:$0x3FDB];
	s0 =	simm.s32 @p2 $0x1  }
0x17: {  	s4 =	simm.s32 $0x1BF5;
	[smem:$0x3FB7] =	sst s0  }
0x18: {  	s0 =	sld [smem:$0x3F9A];
	_ =	swait.ge [sflag:s4], $0x0  }
0x19: {  	s7 =	sld [smem:$0x3F9B]  }
0x1a: {  	s8 =	sadd.s32 $0xFFFFE003, lr  }
0x1b: {  	s9 =	sadd.s32 $0xFFFFFEF7, lr;
	s5 =	simm.s32 $0xFFFFFFFF;
	p2 =	slt.u32 s8, $0xFFFFF086  }
0x1c: {  	p1 =	slt.u32 s9, $0xF7A;
	s5 =	simm.s32 @!p2 $0x0  }
0x1d: {  	s5 =	simm.s32 @p1 $0x1;
	p0 =	seq.s32 s7, s2  }
0x1e: {  	s7 =	smul.u32 @!p0 $0xF7A, s2;
	p2 =	seq.s32 @!p0 s5, $0x0  }
0x1f: {  	s9 =	smul.u32 $0xF7A, s1;
	s8 =	simm.s32 @!p0 $0x1BF5;
	p2 =	por !p2, p0  }
0x20: {  	[sflag:s8] =	ssyncset.s32 @!p0 $0xFFFFF086;
	s6 =	sadd.s32 @!p0 s3, s7;
	s7 =	simm.s32 @!p0 $0x108  }
0x21: {  	s3 =	sadd.s32 s3, s9;
	s6 =	sadd.s32 @!p0 $0x88, s6;
	s7 =	simm.s32 @p2 $0x1082  }
0x22: {  	[simem:s7], [sflag:s8] =	dma.local @!p0 [hbm:s6], $0xF7A  }
0x23: {  	s9 =	sor.u32 $0xD0000000, s2;
	s6 =	simm.s32 $0x108;
	_ =	swait.ge @!p0 [sflag:s8], $0x0  }
0x24: {  	s3 =	sadd.s32 $0x88, s3;
	s6 =	simm.s32 @!p1 $0x1082;
	[sflag:s4] =	ssyncset.s32 $0xFFFFF086  }
0x25: {  	[simem:s6], [sflag:s4] =	dma.local [hbm:s3], $0xF7A  }
0x26: {  	[smem:$0x3F9B] =	sst s1;
	(tag) =	ssettag s2;
	_ =	strace s9  }
0x27: {  	s1 =	sld [smem:$0x3FAB]  }
0x28: {  	s2 =	sld [smem:$0x3FAC]  }
0x29: {  	s4 =	sld [smem:$0x3FAE]  }
0x2a: {  	p0 =	seq.s32 s5, $0x0;
	s5 =	sld [smem:$0x3FAF]  }
0x2b: {  	s6 =	sld [smem:$0x3FB0]  }
0x2c: {  	s7 =	sld [smem:$0x3FB1]  }
0x2d: {  	s3 =	simm.s32 $0x108;
	s8 =	sld [smem:$0x3FB2]  }
0x2e: {  	s3 =	simm.s32 @!p0 $0x1082;
	s9 =	sld [smem:$0x3FB3]  }
0x2f: {  	lr =	sadd.s32 s0, s3;
	s0 =	sld [smem:$0x3FAA]  }
0x30: {  	s3 =	sld [smem:$0x3FAD]  }
0x31: {  	[smem:$0x3FB6] =	sst s10  }
0x32: {  	s10 =	sld [smem:$0x3FB4];
	_ =	sdelay $0x3  }
0x33: {  	p0 =	seq.s32 s10, $0x1;
	s10 =	sld [smem:$0x3FB6];
	_ =	sdelay $0x3  }
0x34: {  	[smem:$0x3FB6] =	sst s10  }
0x35: {  	s10 =	sld [smem:$0x3FB5];
	_ =	sdelay $0x3  }
0x36: {  	p1 =	seq.s32 s10, $0x1;
	s10 =	sld [smem:$0x3FB6];
	_ =	sdelay $0x3  }
0x37: {  	[smem:$0x3FB6] =	sst s10  }
0x38: {  	s10 =	sld [smem:$0x3FB7]  }
0x39: {  	_ = 	snop;
	(pc) =	sbr.ind lr, $3  }
0x3a: {  	_ = 	snop  }
0x3b: {  	_ = 	snop  }
0x3c: {  	p2 =	seq.s32 s10, $0x1;
	s10 =	sld [smem:$0x3FB6]  }
0x3d: {  	_ =	shalt  }
0x3e: {  	_ =	shalt  }
0x3f: {  	_ =	shalt  }
0x40: {  	_ =	shalt  }
0x41: {  	_ =	shalt  }
0x42: {  	_ =	shalt  }
0x43: {  	_ =	shalt  }
0x44: {  	_ =	shalt  }
0x45: {  	_ =	shalt  }
0x46: {  	_ =	shalt  }
0x47: {  	_ =	shalt  }
0x48: {  	_ =	shalt  }
0x49: {  	_ =	shalt  }
0x4a: {  	_ =	shalt  }
0x4b: {  	_ =	shalt  }
0x4c: {  	_ =	shalt  }
0x4d: {  	_ =	shalt  }
0x4e: {  	_ =	shalt  }
0x4f: {  	_ =	shalt  }
0x50: {  	_ =	shalt  }
0x51: {  	_ =	shalt  }
0x52: {  	_ =	shalt  }
0x53: {  	_ =	shalt  }
0x54: {  	_ =	shalt  }
0x55: {  	_ =	shalt  }
0x56: {  	_ =	shalt  }
0x57: {  	_ =	shalt  }
0x58: {  	_ =	shalt  }
0x59: {  	_ =	shalt  }
0x5a: {  	_ =	shalt  }
0x5b: {  	_ =	shalt  }
0x5c: {  	_ =	shalt  }
0x5d: {  	_ =	shalt  }
0x5e: {  	_ =	shalt  }
0x5f: {  	_ =	shalt  }
0x60: {  	_ =	shalt  }
0x61: {  	_ =	shalt  }
0x62: {  	_ =	shalt  }
0x63: {  	_ =	shalt  }
0x64: {  	_ =	shalt  }
0x65: {  	_ =	shalt  }
0x66: {  	_ =	shalt  }
0x67: {  	_ =	shalt  }
0x68: {  	_ =	shalt  }
0x69: {  	_ =	shalt  }
0x6a: {  	_ =	shalt  }
0x6b: {  	_ =	shalt  }
0x6c: {  	_ =	shalt  }
0x6d: {  	_ =	shalt  }
0x6e: {  	_ =	shalt  }
0x6f: {  	_ =	shalt  }
0x70: {  	_ =	shalt  }
0x71: {  	_ =	shalt  }
0x72: {  	_ =	shalt  }
0x73: {  	_ =	shalt  }
0x74: {  	_ =	shalt  }
0x75: {  	_ =	shalt  }
0x76: {  	_ =	shalt  }
0x77: {  	_ =	shalt  }
0x78: {  	_ =	shalt  }
0x79: {  	_ =	shalt  }
0x7a: {  	_ =	shalt  }
0x7b: {  	_ =	shalt  }
0x7c: {  	_ =	shalt  }
0x7d: {  	_ =	shalt  }
0x7e: {  	_ =	shalt  }
0x7f: {  	_ =	shalt  }
0x80: {  	_ =	shalt  }
0x81: {  	_ =	shalt  }
0x82: {  	_ =	shalt  }
0x83: {  	_ =	shalt  }
0x84: {  	_ =	shalt  }
0x85: {  	_ =	shalt  }
0x86: {  	_ =	shalt  }
0x87: {  	_ =	shalt  }
.Lfunc_end0:
.L_simem_size_0:
called_computation.2_lowered:
.L_overlay_start_0:
0x88: {  	s2 =	sld [smem:$0x3FD9]  }
0x89: {  	s3 =	sld [smem:$0x3FFE];
	_ =	sdelay $0x1  }
0x8a: {  	s1 =	srdreg.scid  }
0x8b: {  	s0 =	sand.u32 $0x1, s1  }
0x8c: {  	s17 =	sshll.u32 s0, $0xA;
	s2 =	sadd.s32 s3, s2  }
0x8d: {  	s2 =	sadd.s32 s2, s17  }
0x8e: {  	[smem:$0x3FC2] =	sst s2  }
0x8f: {  	_ = 	snop  }
0x90: {  	s2 =	sld [smem:$0x3FD0];
	(tm) =	ssettm $0x1  }
0x91: {  	s18 =	sld [smem:$0x3FFB];
	_ =	sdelay $0x3  }
0x92: {  	_ =	strace s18  }
0x93: {  	s3 =	sld [smem:$0x3FFC];
	_ =	sdelay $0x3  }
0x94: {  	_ =	strace s3  }
0x95: {  	s3 =	sld [smem:$0x3FFD];
	_ =	sdelay $0x3  }
0x96: {  	_ =	strace s3  }
0x97: {  	_ =	strace $0x8FFFFFFF  }
0x98: {  	s19 =	sld [smem:$0x3FDB];
	_ =	sdelay $0x1  }
0x99: {  	s4 =	simm.s32 $_scs_section_size  }
0x9a: {  	s5 =	simm.s32 $_size__tile_overlayer_lowered;
	s6 =	simm.s32 $_tile_overlayer_lowered  }
0x9b: {  	s22 =	simm.s32 $0x1BFF;
	s21 =	sshll.u32 s6, $0x1;
	s3 =	sadd.s32 s4, s19  }
0x9c: {  	s7 =	simm.s32 $0x0;
	s20 =	sshll.u32 s5, $0x1;
	s5 =	sadd.s32 s21, s3  }
0x9d: {  	[timem:s7], [sflag:s22] =	dma.local [hbm:s5], s20  }
0x9e: {  	_ =	swait.ge [sflag:s22], s20  }
0x9f: {  	s4 =	ssub.s32 $0x0, s20;
	[sflag:s22] =	ssyncset.done $0x0  }
0xa0: {  	[sflag:s22] =	ssyncadd.s32 s4;
	_ =	sdelay $0x1  }
0xa1: {  	s23 =	simm.s32 $0x1B8B  }
0xa2: {  	_ =	swait.ge [sflag:s23], $0x1  }
0xa3: {  	[sflag:s23] =	ssyncset.done $0x0  }
0xa4: {  	s25 =	simm.s32 $0x1B8E;
	s24 =	sld [smem:$0x3FFE];
	[sflag:s23] =	ssyncadd.s32 $0xFFFFFFFF  }
0xa5: {  	s26 =	simm.s32 $execute0_lowered;
	[smem:$0x3FD2] =	sst s25  }
0xa6: {  	s5 =	sshll.u32 s26, $0x1;
	_ =	strace $0x8000004C;
	[dreg:$0x1] =	wrdreg $0xFFFFFFFF  }
0xa7: {  	s28 =	simm.s32 $_size_execute0_lowered;
	s3 =	sadd.s32 s3, s5;
	[dreg:$0x0] =	wrdreg $0x0  }
0xa8: {  	s5 =	sshll.u32 s28, $0x1;
	[dreg:$0x2] =	wrdreg s3  }
0xa9: {  	[dreg:$0x3] =	wrdreg s5  }
0xaa: {  	[dreg:$0x4] =	wrdreg $0xC0  }
0xab: {  	_ =	task [dreg:s7], $0x5FFFF  }
0xac: {  	[dreg:$0x1] =	wrdreg $0xFFFFFFFF  }
0xad: {  	[dreg:$0x0] =	wrdreg $0x60  }
0xae: {  	[dreg:$0x2] =	wrdreg s24  }
0xaf: {  	[dreg:$0x3] =	wrdreg s2  }
0xb0: {  	[dreg:$0x4] =	wrdreg $0xA0000  }
0xb1: {  	[dreg:$0x5] =	wrdreg $0x9  }
0xb2: {  	_ =	task.clear_ibuf [dreg:s7], $0x6FFFF;
	_ =	strace $0x9000004C  }
0xb3: {  	s29 =	simm.s32 $0x9;
	_ =	strace $0x8000004E  }
0xb4: {  	_ =	swait.ge [sflag:s29], $0x1  }
0xb5: {  	[sflag:s29] =	ssyncadd.s32 $0xFFFFFFFF  }
0xb6: {  	_ =	strace $0x9000004E  }
0xb7: {  	_ =	sfence  }
0xb8: {  	s30 =	sld [smem:$0x0];
	_ =	sdelay $0x2  }
0xb9: {  	s31 =	sshll.u32 s1, $0xD;
	s1 =	sshrl.u32 s1, $0x2  }
0xba: {  	s3 =	sand.u32 $0x4000, s31;
	s1 =	sadd.s32 s1, s30  }
0xbb: {  	s0 =	sor.u32 s3, s0;
	s1 =	sshll.u32 s1, $0x11  }
0xbc: {  	s0 =	sor.u32 s1, s0  }
0xbd: {  	s0 =	sadd.s32 $0x8F2B, s0  }
0xbe: {  	[sflag:s0] =	ssyncadd.remote.s32 $0x1  }
0xbf: {  	_ =	sfence.sel $0xFFFF  }
0xc0: {  	[dreg:$0x0] =	wrdreg $0xFFFFFFFF;
	(pc) =	sbr.abs _section_cstart, $3  }
0xc1: {  	[dreg:$0x1] =	wrdreg $0xFFFFFFFF  }
0xc2: {  	_ =	task.clear_ibuf [dreg:s7], $0x2FFFF;
	_ =	strace $0x9FFFFFFF  }
0xc3: {  	(tm) =	ssettm $0x7FFFFFFF  }
tec
execute0_lowered:
.L_overlay_start_1:
0x0: {  	(tag) =	ssettag $0x1  }
0x1: {  	s5 =	rddreg [dreg:$0x0]  }
0x2: {  	s1 =	srdreg.scid;
	s6 =	rddreg [dreg:$0x1]  }
0x3: {  	s0 =	stileid.u32;
	s2 =	rddreg [dreg:$0x2];
	s3 =	simm.s32 $0x0  }
0x4: {  	s14 =	simm.s32 $0x3;
	s15 =	simm.s32 $0x50;
	s16 =	simm.s32 $0x5000  }
0x5: {  	s17 =	simm.s32 $0x7800;
	s18 =	simm.s32 $0x1;
	s19 =	simm.s32 $0x2  }
0x6: {  	s20 =	simm.s32 $0x27B0;
	s21 =	simm.s32 $0x4F60;
	s22 =	simm.s32 $0x4FB0  }
0x7: {  	s23 =	simm.s32 $0x0;
	s7 =	sand.u32 $0x1, s1;
	s1 =	rddreg [dreg:$0x3]  }
0x8: {  	s28 =	sshll.u32 s0, $0x1;
	[smem:$0x7FF] =	sst s3;
	s9 =	smul.u32 $0x14000, s0  }
0x9: {  	s13 =	smul.u32 $0x50000, s0;
	s31 =	sshll.u32 s0, $0x6;
	s4 =	sor.u32 s7, s28  }
0xa: {  	_ =	strace $0x8000004D;
	s10 =	smul.u32 $0x140000, s7;
	s7 =	ssub.s32 $0x2, s7  }
0xb: {  	s8 =	smul.u32 $0x500, s4;
	s4 =	sadd.s32 $0xC600, s5;
	s12 =	sshrl.u32 s9, $0x3  }
0xc: {  	s29 =	sshrl.u32 s7, $0x1;
	s30 =	sshrl.u32 s13, $0x2;
	s12 =	sadd.s32 s12, s5  }
0xd: {  	s9 =	sadd.s32 s9, s10;
	s10 =	ssub.s32 s7, s29;
	s13 =	sadd.s32 s30, s2  }
0xe: {  	s11 =	sadd.s32 s8, s5;
	s9 =	sshrl.u32 s9, $0x3;
	s6 =	sadd.s32 s6, s8  }
0xf: {  	s7 =	sadd.s32 $0x34600, s12;
	s8 =	sor.u32 $0x1C04, s31;
	s10 =	smax.u32 s10, $0x1  }
0x10: {  	s12 =	sshrl.u32 s13, $0x3;
	s13 =	simm.s32 $0x4;
	s9 =	sadd.s32 s9, s5  }
0x11: {  	s5 =	sadd.s32 $0x2600, s11;
	s11 =	simm.s32 $0x2800;
	s9 =	sadd.s32 $0x5C600, s9  }
.LBB2_1:
0x12: {  	[tilespmem:s3], [sflag:$0x3] =	stream.linear.gather [hbm4b:s5+s3], $0x2800, $0x38;
	[tilespmem:$0x1E000] =	vst v63  }
0x13: {  	_ = 	snop  }
0x14: {  	[tilespmem:s11], [sflag:$0x3] =	stream.linear.gather [hbm4b:s6+s3], $0x2800, $0x38;
	[tilespmem:$0x1E000] =	vst v63  }
0x15: {  	[spmem:s12], [sflag:s8] =	dma.local [hbm:s7], $0x2800  }
0x16: {  	_ =	swait.ge [sflag:s13], $0x2800  }
0x17: {  	[sflag:s13] =	ssyncset.done $0x0  }
0x18: {  	[sflag:s13] =	ssyncadd.s32 $0xFFFFD800  }
0x19: {  	_ =	swait.ge [sflag:s14], $0x2800  }
0x1a: {  	[sflag:s14] =	ssyncset.done $0x0  }
0x1b: {  	[sflag:s14] =	ssyncadd.s32 $0xFFFFD800  }
0x1c: {  	_ =	swait.ge [sflag:s14], $0x2800  }
0x1d: {  	[sflag:s14] =	ssyncset.done $0x0  }
0x1e: {  	[sflag:s14] =	ssyncadd.s32 $0xFFFFD800  }
0x1f: {  	[bflag:$0x0] =	sbarrier.arrive $0xFFFF  }
0x20: {  	[tilespmem:s16], [sflag:$0x1] =	stream.indirect.gather [hbm4b:s4+s15], $0x80, s3, s15, $0xb8;
	[tilespmem:$0x1E000] =	vst v63  }
0x21: {  	s24 =	simm.s32 $0x50  }
0x22: {  	[tilespmem:s17], [sflag:$0x2] =	stream.indirect.gather [hbm4b:s4+s15], $0x80, s24, s15, $0xb8;
	[tilespmem:$0x1E000] =	vst v63  }
0x23: {  	_ =	swait.ge [sflag:s18], $0x2800  }
0x24: {  	[sflag:s18] =	ssyncset.done $0x0  }
0x25: {  	s29 =	simm.s32 $0x2800;
	[sflag:s18] =	ssyncadd.s32 $0xFFFFD800  }
0x26: {  	[spmem:s2] =	stream.indirect.scatter.add.f32 [tilespmem:s16], [sflag:$0x4], $0x80, s29, s15, $0xb8;
	[tilespmem:$0x1E000] =	vst v63  }
0x27: {  	_ =	swait.ge [sflag:s13], $0x2800  }
0x28: {  	[sflag:s13] =	ssyncset.done $0x0  }
0x29: {  	s30 =	simm.s32 $0xA0;
	[sflag:s13] =	ssyncadd.s32 $0xFFFFD800  }
0x2a: {  	[tilespmem:s16], [sflag:$0x1] =	stream.indirect.gather [hbm4b:s4+s15], $0x80, s30, s15, $0xb8;
	[tilespmem:$0x1E000] =	vst v63  }
0x2b: {  	_ =	swait.ge [sflag:s19], $0x2800  }
0x2c: {  	[sflag:s19] =	ssyncset.done $0x0  }
0x2d: {  	s31 =	simm.s32 $0x2850;
	[sflag:s19] =	ssyncadd.s32 $0xFFFFD800  }
0x2e: {  	[spmem:s2] =	stream.indirect.scatter.add.f32 [tilespmem:s17], [sflag:$0x4], $0x80, s31, s15, $0xb8;
	[tilespmem:$0x1E000] =	vst v63  }
0x2f: {  	_ =	swait.ge [sflag:s13], $0x2800  }
0x30: {  	s25 =	simm.s32 $0x500;
	s24 =	simm.s32 $0xA0;
	[sflag:s13] =	ssyncset.done $0x0  }
.LBB2_2:
0x31: {  	s26 =	sadd.s32 $0x50, s24  }
0x32: {  	[sflag:s13] =	ssyncadd.s32 $0xFFFFD800;
	s28 =	smov.u32 s25;
	s29 =	sadd.s32 $0x280, s25  }
0x33: {  	[tilespmem:s17], [sflag:$0x2] =	stream.indirect.gather [hbm4b:s4+s15], $0x80, s26, s15, $0xb8;
	[tilespmem:$0x1E000] =	vst v63  }
0x34: {  	p0 =	sne.s32 s25, $0x9B00;
	_ =	swait.ge [sflag:s18], $0x2800  }
0x35: {  	[sflag:s18] =	ssyncset.done $0x0  }
0x36: {  	s25 =	sadd.s32 $0x2800, s24;
	[sflag:s18] =	ssyncadd.s32 $0xFFFFD800  }
0x37: {  	[spmem:s2] =	stream.indirect.scatter.add.f32 [tilespmem:s16], [sflag:$0x4], $0x80, s25, s15, $0xb8;
	[tilespmem:$0x1E000] =	vst v63  }
0x38: {  	_ =	swait.ge [sflag:s13], $0x2800  }
0x39: {  	[sflag:s13] =	ssyncset.done $0x0  }
0x3a: {  	s25 =	sadd.s32 $0xA0, s24;
	[sflag:s13] =	ssyncadd.s32 $0xFFFFD800  }
0x3b: {  	[tilespmem:s16], [sflag:$0x1] =	stream.indirect.gather [hbm4b:s4+s15], $0x80, s25, s15, $0xb8;
	[tilespmem:$0x1E000] =	vst v63  }
0x3c: {  	_ =	swait.ge [sflag:s19], $0x2800  }
.Ltmp0:
0x3d: {  	[sflag:s19] =	ssyncset.done $0x0;
	(pc) =	sbr.rel @p0 .LBB2_2-.Ltmp0, $4  }
0x3e: {  	s24 =	sadd.s32 $0x2850, s24;
	[sflag:s19] =	ssyncadd.s32 $0xFFFFD800  }
0x3f: {  	[spmem:s2] =	stream.indirect.scatter.add.f32 [tilespmem:s17], [sflag:$0x4], $0x80, s24, s15, $0xb8;
	[tilespmem:$0x1E000] =	vst v63  }
0x40: {  	_ =	swait.ge [sflag:s13], $0x2800  }
0x41: {  	s25 =	smov.u32 s29;
	s24 =	sshra.s32 s28, $0x2;
	[sflag:s13] =	ssyncset.done $0x0  }
0x42: {  	s25 =	sadd.s32 $0x50, s24;
	[sflag:s13] =	ssyncadd.s32 $0xFFFFD800  }
0x43: {  	[tilespmem:s17], [sflag:$0x2] =	stream.indirect.gather [hbm4b:s4+s15], $0x80, s25, s15, $0xb8;
	[tilespmem:$0x1E000] =	vst v63  }
0x44: {  	_ =	swait.ge [sflag:s18], $0x2800  }
0x45: {  	[sflag:s18] =	ssyncset.done $0x0  }
0x46: {  	s29 =	sadd.s32 $0x2800, s24;
	[sflag:s18] =	ssyncadd.s32 $0xFFFFD800  }
0x47: {  	[spmem:s2] =	stream.indirect.scatter.add.f32 [tilespmem:s16], [sflag:$0x4], $0x80, s29, s15, $0xb8;
	[tilespmem:$0x1E000] =	vst v63  }
0x48: {  	_ =	swait.ge [sflag:s13], $0x2800  }
0x49: {  	[sflag:s13] =	ssyncset.done $0x0  }
0x4a: {  	s30 =	sadd.s32 $0xA0, s24;
	[sflag:s13] =	ssyncadd.s32 $0xFFFFD800  }
0x4b: {  	[tilespmem:s16], [sflag:$0x1] =	stream.indirect.gather [hbm4b:s4+s15], $0x80, s30, s15, $0xb8;
	[tilespmem:$0x1E000] =	vst v63  }
0x4c: {  	_ =	swait.ge [sflag:s19], $0x2800  }
0x4d: {  	[sflag:s19] =	ssyncset.done $0x0  }
0x4e: {  	s31 =	sadd.s32 $0x2850, s24;
	[sflag:s19] =	ssyncadd.s32 $0xFFFFD800  }
0x4f: {  	[spmem:s2] =	stream.indirect.scatter.add.f32 [tilespmem:s17], [sflag:$0x4], $0x80, s31, s15, $0xb8;
	[tilespmem:$0x1E000] =	vst v63  }
0x50: {  	_ =	swait.ge [sflag:s13], $0x2800  }
0x51: {  	[sflag:s13] =	ssyncset.done $0x0  }
0x52: {  	[sflag:s13] =	ssyncadd.s32 $0xFFFFD800  }
0x53: {  	[tilespmem:s17], [sflag:$0x2] =	stream.indirect.gather [hbm4b:s4+s15], $0x80, s20, s15, $0xb8;
	[tilespmem:$0x1E000] =	vst v63  }
0x54: {  	_ =	swait.ge [sflag:s18], $0x2800  }
0x55: {  	[sflag:s18] =	ssyncset.done $0x0  }
0x56: {  	[sflag:s18] =	ssyncadd.s32 $0xFFFFD800  }
0x57: {  	[spmem:s2] =	stream.indirect.scatter.add.f32 [tilespmem:s16], [sflag:$0x4], $0x80, s21, s15, $0xb8;
	[tilespmem:$0x1E000] =	vst v63  }
0x58: {  	_ =	swait.ge [sflag:s13], $0x2800  }
0x59: {  	[sflag:s13] =	ssyncset.done $0x0  }
0x5a: {  	[sflag:s13] =	ssyncadd.s32 $0xFFFFD800  }
0x5b: {  	_ =	swait.ge [sflag:s19], $0x2800  }
0x5c: {  	[sflag:s19] =	ssyncset.done $0x0  }
0x5d: {  	[sflag:s19] =	ssyncadd.s32 $0xFFFFD800  }
0x5e: {  	[spmem:s2] =	stream.indirect.scatter.add.f32 [tilespmem:s17], [sflag:$0x4], $0x80, s22, s15, $0xb8;
	[tilespmem:$0x1E000] =	vst v63  }
0x5f: {  	_ =	swait.ge [sflag:s13], $0x2800  }
0x60: {  	s23 =	sadd.s32 $0x1, s23;
	[sflag:s13] =	ssyncset.done $0x0  }
0x61: {  	p0 =	sne.s32 s23, s10;
	[sflag:s13] =	ssyncadd.s32 $0xFFFFD800  }
.Ltmp1:
0x62: {  	[bflag:$0x0] =	sbarrier.arrive $0xFFFF;
	(pc) =	sbr.rel @p0 .LBB2_1-.Ltmp1, $4  }
0x63: {  	[hbm:s9], [sflag:s8] =	dma.local [spmem:s12], $0x2800  }
0x64: {  	_ =	swait.ge [sflag:s13], $0x2800  }
0x65: {  	[sflag:s13] =	ssyncset.done $0x0  }
0x66: {  	[sflag:s13] =	ssyncadd.s32 $0xFFFFD800  }
0x67: {  	_ =	sfence.sel $0x180000  }
0x68: {  	[bflag:$0x0] =	sbarrier.arrive $0xFFFF  }
0x69: {  	p0 =	sne.s32 s0, $0x0;
	_ =	strace $0x9000004D  }
0x6a: {  	s0 =	sadd.s32 @!p0 $0x100000, s1;
	[bflag:$0x2] =	sbarrier.arrive $0xFFFF  }
0x6b: {  	[sflag:s0] =	ssyncadd.tile.s32 @!p0 $0x1;
	_ =	shalt  }
.Lfunc_end2:
_tile_overlayer_lowered:
.L_overlay_start_2:
0x6c: {  	(tag) =	ssettag $0x2  }
0x6d: {  	s0 =	rddreg [dreg:$0x0];
	s2 =	stileid.u32  }
0x6e: {  	s1 =	rddreg [dreg:$0x1];
	p0 =	sne.s32 s2, $0x0  }
0x6f: {  	s3 =	rddreg [dreg:$0x2];
	[bflag:$0x3] =	sbarrier.arrive $0xFFFF;
	s2 =	simm.s32 @!p0 $0x1C04  }
0x70: {  	[timem:s3], [sflag:s2] =	dma.local @!p0 [hbm:s0], s1  }
0x71: {  	s0 =	simm.s32 @!p0 $0x4  }
0x72: {  	_ =	swait.ge @!p0 [sflag:s0], s1  }
0x73: {  	s1 =	ssub.s32 @!p0 $0x0, s1;
	[sflag:s0] =	ssyncset.done @!p0 $0x0  }
0x74: {  	[sflag:s0] =	ssyncadd.s32 @!p0 s1  }
0x75: {  	[bflag:$0x3] =	sbarrier.arrive $0xFFFF  }
0x76: {  	_ =	shalt  }

// kernel: kernel.9.cloned.1.call-start
scs
__scs_entry_jumppad:
0x0: {  	(pc) =	sbr.rel $0x88, $3  }
0x1: {  	(tag) =	ssettag $0x0;
	lr =	simm.s32 $0x1  }
0x2: {  	[smem:$0x3F9B] =	sst lr;
	_ =	strace $0xD0000000  }
0x3: {  	_ = 	snop  }
0x4: {  	_ = 	snop  }
0x5: {  	_ = 	snop  }
0x6: {  	_ = 	snop  }
0x7: {  	_ = 	snop  }
__scs_overlays_trampoline_lowered:
0x8: {  	[smem:$0x3FAA] =	sst s0  }
0x9: {  	[smem:$0x3FAB] =	sst s1  }
0xa: {  	[smem:$0x3FAC] =	sst s2  }
0xb: {  	[smem:$0x3FAD] =	sst s3  }
0xc: {  	[smem:$0x3FAE] =	sst s4  }
0xd: {  	[smem:$0x3FAF] =	sst s5  }
0xe: {  	[smem:$0x3FB0] =	sst s6  }
0xf: {  	[smem:$0x3FB1] =	sst s7  }
0x10: {  	[smem:$0x3FB2] =	sst s8  }
0x11: {  	[smem:$0x3FB3] =	sst s9;
	s0 =	simm.s32 @!p0 $0x0  }
0x12: {  	s1 =	sld [smem:$0x3F99];
	s0 =	simm.s32 @p0 $0x1  }
0x13: {  	[smem:$0x3FB4] =	sst s0;
	s0 =	simm.s32 @!p1 $0x0  }
0x14: {  	s2 =	sld [smem:$0x3F98];
	s0 =	simm.s32 @p1 $0x1  }
0x15: {  	[smem:$0x3FB5] =	sst s0;
	s0 =	simm.s32 @!p2 $0x0  }
0x16: {  	s3 =	sld [smem:$0x3FDB];
	s0 =	simm.s32 @p2 $0x1  }
0x17: {  	s4 =	simm.s32 $0x1BF5;
	[smem:$0x3FB7] =	sst s0  }
0x18: {  	s0 =	sld [smem:$0x3F9A];
	_ =	swait.ge [sflag:s4], $0x0  }
0x19: {  	s7 =	sld [smem:$0x3F9B]  }
0x1a: {  	s8 =	sadd.s32 $0xFFFFE003, lr  }
0x1b: {  	s9 =	sadd.s32 $0xFFFFFEF7, lr;
	s5 =	simm.s32 $0xFFFFFFFF;
	p2 =	slt.u32 s8, $0xFFFFF086  }
0x1c: {  	p1 =	slt.u32 s9, $0xF7A;
	s5 =	simm.s32 @!p2 $0x0  }
0x1d: {  	s5 =	simm.s32 @p1 $0x1;
	p0 =	seq.s32 s7, s2  }
0x1e: {  	s7 =	smul.u32 @!p0 $0xF7A, s2;
	p2 =	seq.s32 @!p0 s5, $0x0  }
0x1f: {  	s9 =	smul.u32 $0xF7A, s1;
	s8 =	simm.s32 @!p0 $0x1BF5;
	p2 =	por !p2, p0  }
0x20: {  	[sflag:s8] =	ssyncset.s32 @!p0 $0xFFFFF086;
	s6 =	sadd.s32 @!p0 s3, s7;
	s7 =	simm.s32 @!p0 $0x108  }
0x21: {  	s3 =	sadd.s32 s3, s9;
	s6 =	sadd.s32 @!p0 $0x88, s6;
	s7 =	simm.s32 @p2 $0x1082  }
0x22: {  	[simem:s7], [sflag:s8] =	dma.local @!p0 [hbm:s6], $0xF7A  }
0x23: {  	s9 =	sor.u32 $0xD0000000, s2;
	s6 =	simm.s32 $0x108;
	_ =	swait.ge @!p0 [sflag:s8], $0x0  }
0x24: {  	s3 =	sadd.s32 $0x88, s3;
	s6 =	simm.s32 @!p1 $0x1082;
	[sflag:s4] =	ssyncset.s32 $0xFFFFF086  }
0x25: {  	[simem:s6], [sflag:s4] =	dma.local [hbm:s3], $0xF7A  }
0x26: {  	[smem:$0x3F9B] =	sst s1;
	(tag) =	ssettag s2;
	_ =	strace s9  }
0x27: {  	s1 =	sld [smem:$0x3FAB]  }
0x28: {  	s2 =	sld [smem:$0x3FAC]  }
0x29: {  	s4 =	sld [smem:$0x3FAE]  }
0x2a: {  	p0 =	seq.s32 s5, $0x0;
	s5 =	sld [smem:$0x3FAF]  }
0x2b: {  	s6 =	sld [smem:$0x3FB0]  }
0x2c: {  	s7 =	sld [smem:$0x3FB1]  }
0x2d: {  	s3 =	simm.s32 $0x108;
	s8 =	sld [smem:$0x3FB2]  }
0x2e: {  	s3 =	simm.s32 @!p0 $0x1082;
	s9 =	sld [smem:$0x3FB3]  }
0x2f: {  	lr =	sadd.s32 s0, s3;
	s0 =	sld [smem:$0x3FAA]  }
0x30: {  	s3 =	sld [smem:$0x3FAD]  }
0x31: {  	[smem:$0x3FB6] =	sst s10  }
0x32: {  	s10 =	sld [smem:$0x3FB4];
	_ =	sdelay $0x3  }
0x33: {  	p0 =	seq.s32 s10, $0x1;
	s10 =	sld [smem:$0x3FB6];
	_ =	sdelay $0x3  }
0x34: {  	[smem:$0x3FB6] =	sst s10  }
0x35: {  	s10 =	sld [smem:$0x3FB5];
	_ =	sdelay $0x3  }
0x36: {  	p1 =	seq.s32 s10, $0x1;
	s10 =	sld [smem:$0x3FB6];
	_ =	sdelay $0x3  }
0x37: {  	[smem:$0x3FB6] =	sst s10  }
0x38: {  	s10 =	sld [smem:$0x3FB7]  }
0x39: {  	_ = 	snop;
	(pc) =	sbr.ind lr, $3  }
0x3a: {  	_ = 	snop  }
0x3b: {  	_ = 	snop  }
0x3c: {  	p2 =	seq.s32 s10, $0x1;
	s10 =	sld [smem:$0x3FB6]  }
0x3d: {  	_ =	shalt  }
0x3e: {  	_ =	shalt  }
0x3f: {  	_ =	shalt  }
0x40: {  	_ =	shalt  }
0x41: {  	_ =	shalt  }
0x42: {  	_ =	shalt  }
0x43: {  	_ =	shalt  }
0x44: {  	_ =	shalt  }
0x45: {  	_ =	shalt  }
0x46: {  	_ =	shalt  }
0x47: {  	_ =	shalt  }
0x48: {  	_ =	shalt  }
0x49: {  	_ =	shalt  }
0x4a: {  	_ =	shalt  }
0x4b: {  	_ =	shalt  }
0x4c: {  	_ =	shalt  }
0x4d: {  	_ =	shalt  }
0x4e: {  	_ =	shalt  }
0x4f: {  	_ =	shalt  }
0x50: {  	_ =	shalt  }
0x51: {  	_ =	shalt  }
0x52: {  	_ =	shalt  }
0x53: {  	_ =	shalt  }
0x54: {  	_ =	shalt  }
0x55: {  	_ =	shalt  }
0x56: {  	_ =	shalt  }
0x57: {  	_ =	shalt  }
0x58: {  	_ =	shalt  }
0x59: {  	_ =	shalt  }
0x5a: {  	_ =	shalt  }
0x5b: {  	_ =	shalt  }
0x5c: {  	_ =	shalt  }
0x5d: {  	_ =	shalt  }
0x5e: {  	_ =	shalt  }
0x5f: {  	_ =	shalt  }
0x60: {  	_ =	shalt  }
0x61: {  	_ =	shalt  }
0x62: {  	_ =	shalt  }
0x63: {  	_ =	shalt  }
0x64: {  	_ =	shalt  }
0x65: {  	_ =	shalt  }
0x66: {  	_ =	shalt  }
0x67: {  	_ =	shalt  }
0x68: {  	_ =	shalt  }
0x69: {  	_ =	shalt  }
0x6a: {  	_ =	shalt  }
0x6b: {  	_ =	shalt  }
0x6c: {  	_ =	shalt  }
0x6d: {  	_ =	shalt  }
0x6e: {  	_ =	shalt  }
0x6f: {  	_ =	shalt  }
0x70: {  	_ =	shalt  }
0x71: {  	_ =	shalt  }
0x72: {  	_ =	shalt  }
0x73: {  	_ =	shalt  }
0x74: {  	_ =	shalt  }
0x75: {  	_ =	shalt  }
0x76: {  	_ =	shalt  }
0x77: {  	_ =	shalt  }
0x78: {  	_ =	shalt  }
0x79: {  	_ =	shalt  }
0x7a: {  	_ =	shalt  }
0x7b: {  	_ =	shalt  }
0x7c: {  	_ =	shalt  }
0x7d: {  	_ =	shalt  }
0x7e: {  	_ =	shalt  }
0x7f: {  	_ =	shalt  }
0x80: {  	_ =	shalt  }
0x81: {  	_ =	shalt  }
0x82: {  	_ =	shalt  }
0x83: {  	_ =	shalt  }
0x84: {  	_ =	shalt  }
0x85: {  	_ =	shalt  }
0x86: {  	_ =	shalt  }
0x87: {  	_ =	shalt  }
.Lfunc_end0:
.L_simem_size_0:
called_computation_lowered:
.L_overlay_start_0:
0x88: {  	s2 =	sld [smem:$0x3FD9]  }
0x89: {  	s3 =	sld [smem:$0x3FFE];
	_ =	sdelay $0x1  }
0x8a: {  	s1 =	srdreg.scid  }
0x8b: {  	s0 =	sand.u32 $0x1, s1  }
0x8c: {  	s17 =	sshll.u32 s0, $0xA;
	s2 =	sadd.s32 s3, s2  }
0x8d: {  	s2 =	sadd.s32 s2, s17  }
0x8e: {  	[smem:$0x3FC2] =	sst s2  }
0x8f: {  	_ = 	snop  }
0x90: {  	s2 =	sld [smem:$0x3FD0];
	(tm) =	ssettm $0x1  }
0x91: {  	s18 =	sld [smem:$0x3FFB];
	_ =	sdelay $0x3  }
0x92: {  	_ =	strace s18  }
0x93: {  	s3 =	sld [smem:$0x3FFC];
	_ =	sdelay $0x3  }
0x94: {  	_ =	strace s3  }
0x95: {  	s3 =	sld [smem:$0x3FFD];
	_ =	sdelay $0x3  }
0x96: {  	_ =	strace s3  }
0x97: {  	_ =	strace $0x8FFFFFFF  }
0x98: {  	s19 =	sld [smem:$0x3FDB];
	_ =	sdelay $0x1  }
0x99: {  	s4 =	simm.s32 $_scs_section_size  }
0x9a: {  	s5 =	simm.s32 $_size__tile_overlayer_lowered;
	s6 =	simm.s32 $_tile_overlayer_lowered  }
0x9b: {  	s22 =	simm.s32 $0x1BFF;
	s21 =	sshll.u32 s6, $0x1;
	s3 =	sadd.s32 s4, s19  }
0x9c: {  	s7 =	simm.s32 $0x0;
	s20 =	sshll.u32 s5, $0x1;
	s5 =	sadd.s32 s21, s3  }
0x9d: {  	[timem:s7], [sflag:s22] =	dma.local [hbm:s5], s20  }
0x9e: {  	_ =	swait.ge [sflag:s22], s20  }
0x9f: {  	s4 =	ssub.s32 $0x0, s20;
	[sflag:s22] =	ssyncset.done $0x0  }
0xa0: {  	[sflag:s22] =	ssyncadd.s32 s4;
	_ =	sdelay $0x1  }
0xa1: {  	s23 =	simm.s32 $0x1B8B  }
0xa2: {  	_ =	swait.ge [sflag:s23], $0x1  }
0xa3: {  	[sflag:s23] =	ssyncset.done $0x0  }
0xa4: {  	s25 =	simm.s32 $0x1B8E;
	s24 =	sld [smem:$0x3FFE];
	[sflag:s23] =	ssyncadd.s32 $0xFFFFFFFF  }
0xa5: {  	s26 =	simm.s32 $execute0_lowered;
	[smem:$0x3FD2] =	sst s25  }
0xa6: {  	s5 =	sshll.u32 s26, $0x1;
	_ =	strace $0x80000046;
	[dreg:$0x1] =	wrdreg $0xFFFFFFFF  }
0xa7: {  	s28 =	simm.s32 $_size_execute0_lowered;
	s3 =	sadd.s32 s3, s5;
	[dreg:$0x0] =	wrdreg $0x0  }
0xa8: {  	s5 =	sshll.u32 s28, $0x1;
	[dreg:$0x2] =	wrdreg s3  }
0xa9: {  	[dreg:$0x3] =	wrdreg s5  }
0xaa: {  	[dreg:$0x4] =	wrdreg $0xC0  }
0xab: {  	_ =	task [dreg:s7], $0x5FFFF  }
0xac: {  	[dreg:$0x1] =	wrdreg $0xFFFFFFFF  }
0xad: {  	[dreg:$0x0] =	wrdreg $0x60  }
0xae: {  	[dreg:$0x2] =	wrdreg s2  }
0xaf: {  	[dreg:$0x3] =	wrdreg s24  }
0xb0: {  	[dreg:$0x4] =	wrdreg $0x2A000  }
0xb1: {  	[dreg:$0x5] =	wrdreg $0x9  }
0xb2: {  	_ =	task.clear_ibuf [dreg:s7], $0x6FFFF;
	_ =	strace $0x90000046  }
0xb3: {  	s29 =	simm.s32 $0x9;
	_ =	strace $0x80000048  }
0xb4: {  	_ =	swait.ge [sflag:s29], $0x1  }
0xb5: {  	[sflag:s29] =	ssyncadd.s32 $0xFFFFFFFF  }
0xb6: {  	_ =	strace $0x90000048  }
0xb7: {  	_ =	sfence  }
0xb8: {  	s30 =	sld [smem:$0x0];
	_ =	sdelay $0x2  }
0xb9: {  	s31 =	sshll.u32 s1, $0xD;
	s1 =	sshrl.u32 s1, $0x2  }
0xba: {  	s3 =	sand.u32 $0x4000, s31;
	s1 =	sadd.s32 s1, s30  }
0xbb: {  	s0 =	sor.u32 s3, s0;
	s1 =	sshll.u32 s1, $0x11  }
0xbc: {  	s0 =	sor.u32 s1, s0  }
0xbd: {  	s0 =	sadd.s32 $0x8F2B, s0  }
0xbe: {  	[sflag:s0] =	ssyncadd.remote.s32 $0x1  }
0xbf: {  	_ =	sfence.sel $0xFFFF  }
0xc0: {  	[dreg:$0x0] =	wrdreg $0xFFFFFFFF;
	(pc) =	sbr.abs _section_cstart, $3  }
0xc1: {  	[dreg:$0x1] =	wrdreg $0xFFFFFFFF  }
0xc2: {  	_ =	task.clear_ibuf [dreg:s7], $0x2FFFF;
	_ =	strace $0x9FFFFFFF  }
0xc3: {  	(tm) =	ssettm $0x7FFFFFFF  }
tec
execute0_lowered:
.L_overlay_start_1:
0x0: {  	(tag) =	ssettag $0x1  }
0x1: {  	s4 =	rddreg [dreg:$0x0]  }
0x2: {  	s5 =	rddreg [dreg:$0x1];
	s1 =	srdreg.scid  }
0x3: {  	s0 =	stileid.u32;
	s2 =	rddreg [dreg:$0x2];
	s31 =	simm.s32 $0x400  }
0x4: {  	s10 =	simm.s32 $0x600;
	s11 =	simm.s32 $0xA00;
	s12 =	simm.s32 $0xC00  }
0x5: {  	s13 =	simm.s32 $0xE00;
	s14 =	simm.s32 $0x1000;
	s15 =	simm.s32 $0x1200  }
0x6: {  	s16 =	simm.s32 $0x1400;
	s17 =	simm.s32 $0x1600;
	s18 =	simm.s32 $0x1800  }
0x7: {  	s19 =	simm.s32 $0x1A00;
	s20 =	simm.s32 $0x1C00;
	s21 =	simm.s32 $0x1E00  }
0x8: {  	s28 =	simm.s32 $0x10;
	s6 =	sand.u32 $0x1, s1;
	s7 =	smul.u32 $0x500, s0  }
0x9: {  	s3 =	sshll.u32 s0, $0x1;
	s1 =	rddreg [dreg:$0x3];
	s22 =	smul.u32 $0xA00, s0  }
0xa: {  	s8 =	sor.u32 s6, s3;
	s3 =	simm.s32 $0x0;
	s9 =	sshll.u32 s6, $0x7  }
0xb: {  	s6 =	ssub.s32 $0x2, s6;
	s8 =	smul.u32 $0x500, s8;
	[smem:$0x7FF] =	sst s3  }
0xc: {  	s7 =	sor.u32 s9, s7;
	s23 =	sshrl.u32 s22, $0x2;
	s25 =	sshrl.u32 s6, $0x1  }
0xd: {  	s9 =	simm.s32 $0x200;
	s22 =	simm.s32 $0x2000;
	_ =	strace $0x80000047  }
0xe: {  	s7 =	sshrl.u32 s7, $0x3;
	s6 =	ssub.s32 s6, s25;
	[dreg:$0xa] =	wrdreg s31  }
0xf: {  	[dreg:$0xb] =	wrdreg s10;
	s10 =	simm.s32 $0x800;
	s25 =	simm.s32 $0x2600  }
0x10: {  	s5 =	sadd.s32 s7, s5;
	s4 =	sadd.s32 s4, s8;
	s7 =	simm.s32 $0x2  }
0x11: {  	[dreg:$0x4] =	wrdreg s4;
	s5 =	sadd.s32 $0x1C00, s5;
	s4 =	sadd.s32 s23, s2  }
0x12: {  	s8 =	simm.s32 $0x1;
	[dreg:$0x5] =	wrdreg s5;
	s24 =	sadd.s32 $0x80, s4  }
0x13: {  	s23 =	simm.s32 $0x2200;
	s26 =	sadd.s32 $0x100, s4;
	[dreg:$0x6] =	wrdreg s24  }
0x14: {  	s29 =	sadd.s32 $0x180, s4;
	s5 =	smax.u32 s6, $0x1;
	[dreg:$0x7] =	wrdreg s26  }
0x15: {  	s30 =	sadd.s32 $0x200, s4;
	s6 =	simm.s32 $0x2800;
	[dreg:$0x8] =	wrdreg s29  }
0x16: {  	v0 =	vimm.f32 $0.0e+00;
	v1 =	vimm.f32 $1.000000000e+00;
	[dreg:$0x9] =	wrdreg s30;
	s24 =	simm.s32 $0x2400;
	s26 =	simm.s32 $0x20  }
.LBB2_1:
0x17: {  	s29 =	rddreg [dreg:$0x4]  }
0x18: {  	[tilespmem:s3], [sflag:$0x1] =	stream.linear.gather [hbm4b:s29+s3], $0x2800, $0x38;
	[tilespmem:$0x2C80] =	vst v63  }
0x19: {  	[tilespmem:$0x2800] =	vst v0  }
0x1a: {  	[tilespmem:$0x2810] =	vst v0  }
0x1b: {  	[tilespmem:$0x2820] =	vst v0  }
0x1c: {  	[tilespmem:$0x2830] =	vst v0  }
0x1d: {  	[tilespmem:$0x2840] =	vst v0  }
0x1e: {  	[tilespmem:$0x2850] =	vst v0  }
0x1f: {  	[tilespmem:$0x2860] =	vst v0  }
0x20: {  	[tilespmem:$0x2870] =	vst v0  }
0x21: {  	[tilespmem:$0x2880] =	vst v0  }
0x22: {  	[tilespmem:$0x2890] =	vst v0  }
0x23: {  	[tilespmem:$0x28A0] =	vst v0  }
0x24: {  	[tilespmem:$0x28B0] =	vst v0  }
0x25: {  	[tilespmem:$0x28C0] =	vst v0  }
0x26: {  	[tilespmem:$0x28D0] =	vst v0  }
0x27: {  	[tilespmem:$0x28E0] =	vst v0  }
0x28: {  	[tilespmem:$0x28F0] =	vst v0  }
0x29: {  	[tilespmem:$0x2900] =	vst v0  }
0x2a: {  	[tilespmem:$0x2910] =	vst v0  }
0x2b: {  	[tilespmem:$0x2920] =	vst v0  }
0x2c: {  	[tilespmem:$0x2930] =	vst v0  }
0x2d: {  	[tilespmem:$0x2940] =	vst v0  }
0x2e: {  	[tilespmem:$0x2950] =	vst v0  }
0x2f: {  	[tilespmem:$0x2960] =	vst v0  }
0x30: {  	[tilespmem:$0x2970] =	vst v0  }
0x31: {  	[tilespmem:$0x2980] =	vst v0  }
0x32: {  	[tilespmem:$0x2990] =	vst v0  }
0x33: {  	[tilespmem:$0x29A0] =	vst v0  }
0x34: {  	[tilespmem:$0x29B0] =	vst v0  }
0x35: {  	[tilespmem:$0x29C0] =	vst v0  }
0x36: {  	[tilespmem:$0x29D0] =	vst v0  }
0x37: {  	[tilespmem:$0x29E0] =	vst v0  }
0x38: {  	[tilespmem:$0x29F0] =	vst v0  }
0x39: {  	[spmem:s4] =	stream.linear.scatter [tilespmem:s6], [sflag:$0x2], $0x80, $0x38;
	[tilespmem:$0x2C80] =	vst v63  }
0x3a: {  	_ =	swait.ge [sflag:s7], $0x80  }
0x3b: {  	[sflag:s7] =	ssyncset.done $0x0  }
0x3c: {  	s30 =	rddreg [dreg:$0x6];
	[sflag:s7] =	ssyncadd.s32 $0xFFFFFF80  }
0x3d: {  	[spmem:s30] =	stream.linear.scatter [tilespmem:s6], [sflag:$0x2], $0x80, $0x38;
	[tilespmem:$0x2C80] =	vst v63  }
0x3e: {  	_ =	swait.ge [sflag:s7], $0x80  }
0x3f: {  	[sflag:s7] =	ssyncset.done $0x0  }
0x40: {  	s31 =	rddreg [dreg:$0x7];
	[sflag:s7] =	ssyncadd.s32 $0xFFFFFF80  }
0x41: {  	[spmem:s31] =	stream.linear.scatter [tilespmem:s6], [sflag:$0x2], $0x80, $0x38;
	[tilespmem:$0x2C80] =	vst v63  }
0x42: {  	_ =	swait.ge [sflag:s7], $0x80  }
0x43: {  	[sflag:s7] =	ssyncset.done $0x0  }
0x44: {  	s30 =	rddreg [dreg:$0x8];
	[sflag:s7] =	ssyncadd.s32 $0xFFFFFF80  }
0x45: {  	[spmem:s30] =	stream.linear.scatter [tilespmem:s6], [sflag:$0x2], $0x80, $0x38;
	[tilespmem:$0x2C80] =	vst v63  }
0x46: {  	_ =	swait.ge [sflag:s7], $0x80  }
0x47: {  	[sflag:s7] =	ssyncset.done $0x0  }
0x48: {  	s31 =	rddreg [dreg:$0x9];
	[sflag:s7] =	ssyncadd.s32 $0xFFFFFF80  }
0x49: {  	[spmem:s31] =	stream.linear.scatter [tilespmem:s6], [sflag:$0x2], $0x80, $0x38;
	[tilespmem:$0x2C80] =	vst v63  }
0x4a: {  	_ =	swait.ge [sflag:s7], $0x80  }
0x4b: {  	[sflag:s7] =	ssyncset.done $0x0  }
0x4c: {  	[sflag:s7] =	ssyncadd.s32 $0xFFFFFF80  }
0x4d: {  	[tilespmem:$0x2800] =	vst v1  }
0x4e: {  	[tilespmem:$0x2810] =	vst v1  }
0x4f: {  	[tilespmem:$0x2820] =	vst v1  }
0x50: {  	[tilespmem:$0x2830] =	vst v1  }
0x51: {  	[tilespmem:$0x2840] =	vst v1  }
0x52: {  	[tilespmem:$0x2850] =	vst v1  }
0x53: {  	[tilespmem:$0x2860] =	vst v1  }
0x54: {  	[tilespmem:$0x2870] =	vst v1  }
0x55: {  	[tilespmem:$0x2880] =	vst v1  }
0x56: {  	[tilespmem:$0x2890] =	vst v1  }
0x57: {  	[tilespmem:$0x28A0] =	vst v1  }
0x58: {  	[tilespmem:$0x28B0] =	vst v1  }
0x59: {  	[tilespmem:$0x28C0] =	vst v1  }
0x5a: {  	[tilespmem:$0x28D0] =	vst v1  }
0x5b: {  	[tilespmem:$0x28E0] =	vst v1  }
0x5c: {  	[tilespmem:$0x28F0] =	vst v1  }
0x5d: {  	[tilespmem:$0x2900] =	vst v1  }
0x5e: {  	[tilespmem:$0x2910] =	vst v1  }
0x5f: {  	[tilespmem:$0x2920] =	vst v1  }
0x60: {  	[tilespmem:$0x2930] =	vst v1  }
0x61: {  	[tilespmem:$0x2940] =	vst v1  }
0x62: {  	[tilespmem:$0x2950] =	vst v1  }
0x63: {  	[tilespmem:$0x2960] =	vst v1  }
0x64: {  	[tilespmem:$0x2970] =	vst v1  }
0x65: {  	[tilespmem:$0x2980] =	vst v1  }
0x66: {  	[tilespmem:$0x2990] =	vst v1  }
0x67: {  	[tilespmem:$0x29A0] =	vst v1  }
0x68: {  	[tilespmem:$0x29B0] =	vst v1  }
0x69: {  	[tilespmem:$0x29C0] =	vst v1  }
0x6a: {  	[tilespmem:$0x29D0] =	vst v1  }
0x6b: {  	[tilespmem:$0x29E0] =	vst v1  }
0x6c: {  	[tilespmem:$0x29F0] =	vst v1  }
0x6d: {  	_ =	swait.ge [sflag:s8], $0x2800  }
0x6e: {  	[sflag:s8] =	ssyncset.done $0x0  }
0x6f: {  	[sflag:s8] =	ssyncadd.s32 $0xFFFFD800  }
0x70: {  	[bflag:$0x0] =	sbarrier.arrive $0xFFFF  }
0x71: {  	[spmem:s2] =	stream.indirect.scatter.add.f32 [tilespmem:s6], [sflag:$0x2], $0x1, s3, s9, $0xb8;
	[tilespmem:$0x2C80] =	vst v63  }
0x72: {  	_ =	swait.ge [sflag:s7], $0x200  }
0x73: {  	[sflag:s7] =	ssyncset.done $0x0  }
0x74: {  	[sflag:s7] =	ssyncadd.s32 $0xFFFFFE00  }
0x75: {  	[spmem:s2] =	stream.indirect.scatter.add.f32 [tilespmem:s6], [sflag:$0x2], $0x1, s9, s9, $0xb8;
	[tilespmem:$0x2C80] =	vst v63  }
0x76: {  	_ =	swait.ge [sflag:s7], $0x200  }
0x77: {  	[sflag:s7] =	ssyncset.done $0x0  }
0x78: {  	s30 =	rddreg [dreg:$0xa];
	[sflag:s7] =	ssyncadd.s32 $0xFFFFFE00  }
0x79: {  	[spmem:s2] =	stream.indirect.scatter.add.f32 [tilespmem:s6], [sflag:$0x2], $0x1, s30, s9, $0xb8;
	[tilespmem:$0x2C80] =	vst v63  }
0x7a: {  	_ =	swait.ge [sflag:s7], $0x200  }
0x7b: {  	[sflag:s7] =	ssyncset.done $0x0  }
0x7c: {  	s31 =	rddreg [dreg:$0xb];
	[sflag:s7] =	ssyncadd.s32 $0xFFFFFE00  }
0x7d: {  	[spmem:s2] =	stream.indirect.scatter.add.f32 [tilespmem:s6], [sflag:$0x2], $0x1, s31, s9, $0xb8;
	[tilespmem:$0x2C80] =	vst v63  }
0x7e: {  	_ =	swait.ge [sflag:s7], $0x200  }
0x7f: {  	[sflag:s7] =	ssyncset.done $0x0  }
0x80: {  	[sflag:s7] =	ssyncadd.s32 $0xFFFFFE00  }
0x81: {  	[spmem:s2] =	stream.indirect.scatter.add.f32 [tilespmem:s6], [sflag:$0x2], $0x1, s10, s9, $0xb8;
	[tilespmem:$0x2C80] =	vst v63  }
0x82: {  	_ =	swait.ge [sflag:s7], $0x200  }
0x83: {  	[sflag:s7] =	ssyncset.done $0x0  }
0x84: {  	[sflag:s7] =	ssyncadd.s32 $0xFFFFFE00  }
0x85: {  	[spmem:s2] =	stream.indirect.scatter.add.f32 [tilespmem:s6], [sflag:$0x2], $0x1, s11, s9, $0xb8;
	[tilespmem:$0x2C80] =	vst v63  }
0x86: {  	_ =	swait.ge [sflag:s7], $0x200  }
0x87: {  	[sflag:s7] =	ssyncset.done $0x0  }
0x88: {  	[sflag:s7] =	ssyncadd.s32 $0xFFFFFE00  }
0x89: {  	[spmem:s2] =	stream.indirect.scatter.add.f32 [tilespmem:s6], [sflag:$0x2], $0x1, s12, s9, $0xb8;
	[tilespmem:$0x2C80] =	vst v63  }
0x8a: {  	_ =	swait.ge [sflag:s7], $0x200  }
0x8b: {  	[sflag:s7] =	ssyncset.done $0x0  }
0x8c: {  	[sflag:s7] =	ssyncadd.s32 $0xFFFFFE00  }
0x8d: {  	[spmem:s2] =	stream.indirect.scatter.add.f32 [tilespmem:s6], [sflag:$0x2], $0x1, s13, s9, $0xb8;
	[tilespmem:$0x2C80] =	vst v63  }
0x8e: {  	_ =	swait.ge [sflag:s7], $0x200  }
0x8f: {  	[sflag:s7] =	ssyncset.done $0x0  }
0x90: {  	[sflag:s7] =	ssyncadd.s32 $0xFFFFFE00  }
0x91: {  	[spmem:s2] =	stream.indirect.scatter.add.f32 [tilespmem:s6], [sflag:$0x2], $0x1, s14, s9, $0xb8;
	[tilespmem:$0x2C80] =	vst v63  }
0x92: {  	_ =	swait.ge [sflag:s7], $0x200  }
0x93: {  	[sflag:s7] =	ssyncset.done $0x0  }
0x94: {  	[sflag:s7] =	ssyncadd.s32 $0xFFFFFE00  }
0x95: {  	[spmem:s2] =	stream.indirect.scatter.add.f32 [tilespmem:s6], [sflag:$0x2], $0x1, s15, s9, $0xb8;
	[tilespmem:$0x2C80] =	vst v63  }
0x96: {  	_ =	swait.ge [sflag:s7], $0x200  }
0x97: {  	[sflag:s7] =	ssyncset.done $0x0  }
0x98: {  	[sflag:s7] =	ssyncadd.s32 $0xFFFFFE00  }
0x99: {  	[spmem:s2] =	stream.indirect.scatter.add.f32 [tilespmem:s6], [sflag:$0x2], $0x1, s16, s9, $0xb8;
	[tilespmem:$0x2C80] =	vst v63  }
0x9a: {  	_ =	swait.ge [sflag:s7], $0x200  }
0x9b: {  	[sflag:s7] =	ssyncset.done $0x0  }
0x9c: {  	[sflag:s7] =	ssyncadd.s32 $0xFFFFFE00  }
0x9d: {  	[spmem:s2] =	stream.indirect.scatter.add.f32 [tilespmem:s6], [sflag:$0x2], $0x1, s17, s9, $0xb8;
	[tilespmem:$0x2C80] =	vst v63  }
0x9e: {  	_ =	swait.ge [sflag:s7], $0x200  }
0x9f: {  	[sflag:s7] =	ssyncset.done $0x0  }
0xa0: {  	[sflag:s7] =	ssyncadd.s32 $0xFFFFFE00  }
0xa1: {  	[spmem:s2] =	stream.indirect.scatter.add.f32 [tilespmem:s6], [sflag:$0x2], $0x1, s18, s9, $0xb8;
	[tilespmem:$0x2C80] =	vst v63  }
0xa2: {  	_ =	swait.ge [sflag:s7], $0x200  }
0xa3: {  	[sflag:s7] =	ssyncset.done $0x0  }
0xa4: {  	[sflag:s7] =	ssyncadd.s32 $0xFFFFFE00  }
0xa5: {  	[spmem:s2] =	stream.indirect.scatter.add.f32 [tilespmem:s6], [sflag:$0x2], $0x1, s19, s9, $0xb8;
	[tilespmem:$0x2C80] =	vst v63  }
0xa6: {  	_ =	swait.ge [sflag:s7], $0x200  }
0xa7: {  	[sflag:s7] =	ssyncset.done $0x0  }
0xa8: {  	[sflag:s7] =	ssyncadd.s32 $0xFFFFFE00  }
0xa9: {  	[spmem:s2] =	stream.indirect.scatter.add.f32 [tilespmem:s6], [sflag:$0x2], $0x1, s20, s9, $0xb8;
	[tilespmem:$0x2C80] =	vst v63  }
0xaa: {  	_ =	swait.ge [sflag:s7], $0x200  }
0xab: {  	[sflag:s7] =	ssyncset.done $0x0  }
0xac: {  	[sflag:s7] =	ssyncadd.s32 $0xFFFFFE00  }
0xad: {  	[spmem:s2] =	stream.indirect.scatter.add.f32 [tilespmem:s6], [sflag:$0x2], $0x1, s21, s9, $0xb8;
	[tilespmem:$0x2C80] =	vst v63  }
0xae: {  	_ =	swait.ge [sflag:s7], $0x200  }
0xaf: {  	[sflag:s7] =	ssyncset.done $0x0  }
0xb0: {  	[sflag:s7] =	ssyncadd.s32 $0xFFFFFE00  }
0xb1: {  	[spmem:s2] =	stream.indirect.scatter.add.f32 [tilespmem:s6], [sflag:$0x2], $0x1, s22, s9, $0xb8;
	[tilespmem:$0x2C80] =	vst v63  }
0xb2: {  	_ =	swait.ge [sflag:s7], $0x200  }
0xb3: {  	[sflag:s7] =	ssyncset.done $0x0  }
0xb4: {  	[sflag:s7] =	ssyncadd.s32 $0xFFFFFE00  }
0xb5: {  	[spmem:s2] =	stream.indirect.scatter.add.f32 [tilespmem:s6], [sflag:$0x2], $0x1, s23, s9, $0xb8;
	[tilespmem:$0x2C80] =	vst v63  }
0xb6: {  	_ =	swait.ge [sflag:s7], $0x200  }
0xb7: {  	[sflag:s7] =	ssyncset.done $0x0  }
0xb8: {  	[sflag:s7] =	ssyncadd.s32 $0xFFFFFE00  }
0xb9: {  	[spmem:s2] =	stream.indirect.scatter.add.f32 [tilespmem:s6], [sflag:$0x2], $0x1, s24, s9, $0xb8;
	[tilespmem:$0x2C80] =	vst v63  }
0xba: {  	_ =	swait.ge [sflag:s7], $0x200  }
0xbb: {  	[sflag:s7] =	ssyncset.done $0x0  }
0xbc: {  	[sflag:s7] =	ssyncadd.s32 $0xFFFFFE00  }
0xbd: {  	[spmem:s2] =	stream.indirect.scatter.add.f32 [tilespmem:s6], [sflag:$0x2], $0x1, s25, s9, $0xb8;
	[tilespmem:$0x2C80] =	vst v63  }
0xbe: {  	_ =	swait.ge [sflag:s7], $0x200  }
0xbf: {  	[sflag:s7] =	ssyncset.done $0x0  }
0xc0: {  	s30 =	sshll.u32 s0, $0x6;
	[sflag:s7] =	ssyncadd.s32 $0xFFFFFE00  }
0xc1: {  	p0 =	sne.s32 s5, $0x1;
	s30 =	sor.u32 $0x1C02, s30;
	[bflag:$0x0] =	sbarrier.arrive $0xFFFF  }
.Ltmp0:
0xc2: {  	s31 =	sshrl.u32 s4, $0x3;
	s29 =	rddreg [dreg:$0x5];
	(pc) =	sbr.rel @p0 .LBB2_1-.Ltmp0, $4  }
0xc3: {  	[hbm:s29@s26], [sflag:s30] =	dma.strided [spmem:s31@s28], $0x50, s8, $0x10   }
0xc4: {  	_ =	swait.ge [sflag:s7], $0x50  }
0xc5: {  	[sflag:s7] =	ssyncset.done $0x0  }
0xc6: {  	s5 =	sadd.s32 $0xFFFFFFFF, s5;
	[sflag:s7] =	ssyncadd.s32 $0xFFFFFFB0  }
0xc7: {  	_ =	sfence.sel $0x180000  }
0xc8: {  	[bflag:$0x0] =	sbarrier.arrive $0xFFFF  }
0xc9: {  	p0 =	sne.s32 s0, $0x0;
	_ =	strace $0x90000047  }
0xca: {  	s0 =	sadd.s32 @!p0 $0x100000, s1;
	[bflag:$0x2] =	sbarrier.arrive $0xFFFF  }
0xcb: {  	[sflag:s0] =	ssyncadd.tile.s32 @!p0 $0x1;
	_ =	shalt  }
.Lfunc_end2:
_tile_overlayer_lowered:
.L_overlay_start_2:
0xcc: {  	(tag) =	ssettag $0x2  }
0xcd: {  	s0 =	rddreg [dreg:$0x0];
	s2 =	stileid.u32  }
0xce: {  	s1 =	rddreg [dreg:$0x1];
	p0 =	sne.s32 s2, $0x0  }
0xcf: {  	s3 =	rddreg [dreg:$0x2];
	[bflag:$0x3] =	sbarrier.arrive $0xFFFF;
	s2 =	simm.s32 @!p0 $0x1C02  }
0xd0: {  	[timem:s3], [sflag:s2] =	dma.local @!p0 [hbm:s0], s1  }
0xd1: {  	s0 =	simm.s32 @!p0 $0x2  }
0xd2: {  	_ =	swait.ge @!p0 [sflag:s0], s1  }
0xd3: {  	s1 =	ssub.s32 @!p0 $0x0, s1;
	[sflag:s0] =	ssyncset.done @!p0 $0x0  }
0xd4: {  	[sflag:s0] =	ssyncadd.s32 @!p0 s1  }
0xd5: {  	[bflag:$0x3] =	sbarrier.arrive $0xFFFF  }
0xd6: {  	_ =	shalt  }

</sc_bundles>
